<compile_context>
chip_gen: v7x
topology: tpu7x:2x2x1
jax: 0.10.2.dev20260603
libtpu: 0.0.44.dev20260713+nightly
codegen_flags: <defaults>
</compile_context>

<pallas_src>
import functools

import jax
import jax.numpy as jnp
from jax import lax
from jax.experimental import pallas as pl
from jax.experimental.pallas import tpu as pltpu
from jax.experimental.pallas import tpu_sc as plsc

_VOCAB = 100000
_D = 128
_B = 4096
_H = 50
_N = _B * _H

_INFO = plsc.get_sparse_core_info()
_NC = _INFO.num_cores
_NS = _INFO.num_subcores
_NW = _NC * _NS
_PER_W = _N // _NW
_NBUF = 8
_LEAD = 6
_CHUNK = 80
_NSTEPS = _PER_W // _CHUNK

_mesh = plsc.VectorSubcoreMesh(core_axis_name="c", subcore_axis_name="s")


@functools.partial(
    pl.kernel,
    mesh=_mesh,
    out_type=jax.ShapeDtypeStruct((_N, _D), jnp.float32),
    scratch_types=[
        pltpu.VMEM((_PER_W,), jnp.int32),
        [pltpu.VMEM((_CHUNK, _D), jnp.float32)] * _NBUF,
        [pltpu.SemaphoreType.DMA] * _NBUF,
        [pltpu.SemaphoreType.DMA] * _NBUF,
    ],
)
def _gather_all(tok_hbm, w_hbm, out_hbm, idx_v, bufs, gsems, ssems):
    wid = lax.axis_index("s") * _NC + lax.axis_index("c")
    base = wid * _PER_W
    pltpu.sync_copy(tok_hbm.at[pl.ds(base, _PER_W)], idx_v)

    def gather(step, b):
        return pltpu.make_async_copy(
            w_hbm.at[idx_v.at[pl.ds(step * _CHUNK, _CHUNK)]],
            bufs[b],
            gsems[b],
        )

    def scatter(step, b):
        return pltpu.make_async_copy(
            bufs[b],
            out_hbm.at[pl.ds(base + step * _CHUNK, _CHUNK)],
            ssems[b],
        )

    for s in range(_LEAD):
        gather(s, s % _NBUF).start()

    def group(o, carry):
        for b in range(_NBUF):
            s = o * _NBUF + b
            bn = (b + _LEAD) % _NBUF
            @pl.when(s >= _NBUF - _LEAD)
            def _():
                scatter(s - (_NBUF - _LEAD), bn).wait()

            @pl.when(s + _LEAD < _NSTEPS)
            def _():
                gather(s + _LEAD, bn).start()

            gather(s, b).wait()
            scatter(s, b).start()
        return carry

    lax.fori_loop(0, _NSTEPS // _NBUF, group, 0)

    for s in range(_NSTEPS - (_NBUF - _LEAD), _NSTEPS):
        scatter(s, s % _NBUF).wait()


def kernel(token_ids, weights):
    flat = token_ids.astype(jnp.int32).T.reshape(-1)
    out2d = _gather_all(flat, weights)
    return out2d.reshape(_H, _B, _D).transpose(1, 0, 2)

# --- scband reference (transcript-rebuilt; emitter-appended) ---
"""Pipeline reference for scband-embedding-8521215115767 (READ-ONLY COPY).

The authoritative reference and input builder live on the scoring server;
editing this copy changes nothing except your own understanding.
"""

import jax, jax.numpy as jnp
import numpy as np

VOCAB = 100000
EMBED_DIM = 128
BATCH = 4096
HIST = 50

def setup_inputs(seed: int = 0) -> dict:
    key = jax.random.key(seed)
    k_idx, k_w = jax.random.split(key)
    token_ids = jax.random.randint(k_idx, (BATCH, HIST), 0, VOCAB, dtype=jnp.int64 if jax.config.jax_enable_x64 else jnp.int32)
    # truncated normal init: mean=0, std=1, truncated at [-3, 3]
    weights = jax.random.truncated_normal(k_w, -3.0, 3.0, (VOCAB, EMBED_DIM), dtype=jnp.float32)
    return {"token_ids": token_ids, "weights": weights}

def reference(token_ids, weights):
    # Embedding lookup: weights[token_ids]
    return jnp.take(weights, token_ids, axis=0)

if __name__ == "__main__":
    import jax
    _d = setup_inputs()
    print(jax.jit(kernel)(*tuple(_d.values())))

</pallas_src>

<mosaic_0001>
#map = affine_map<(d0, d1) -> (0)>
#map1 = affine_map<(d0, d1) -> (0, 0)>
module attributes {stable_mosaic.version = 14 : i64} {
  func.func @_gather_all(%arg0: i32, %arg1: i32, %arg2: memref<204800xi32, #tpu.memory_space<hbm>>, %arg3: memref<100000x128xf32, #tpu.memory_space<hbm>>, %arg4: memref<204800x128xf32, #tpu.memory_space<hbm>>, %arg5: memref<6400xi32, #tpu.memory_space<vmem>>, %arg6: memref<80x128xf32, #tpu.memory_space<vmem>>, %arg7: memref<80x128xf32, #tpu.memory_space<vmem>>, %arg8: memref<80x128xf32, #tpu.memory_space<vmem>>, %arg9: memref<80x128xf32, #tpu.memory_space<vmem>>, %arg10: memref<80x128xf32, #tpu.memory_space<vmem>>, %arg11: memref<80x128xf32, #tpu.memory_space<vmem>>, %arg12: memref<80x128xf32, #tpu.memory_space<vmem>>, %arg13: memref<80x128xf32, #tpu.memory_space<vmem>>, %arg14: memref<!tpu.dma_semaphore, #tpu.memory_space<semaphore_mem>>, %arg15: memref<!tpu.dma_semaphore, #tpu.memory_space<semaphore_mem>>, %arg16: memref<!tpu.dma_semaphore, #tpu.memory_space<semaphore_mem>>, %arg17: memref<!tpu.dma_semaphore, #tpu.memory_space<semaphore_mem>>, %arg18: memref<!tpu.dma_semaphore, #tpu.memory_space<semaphore_mem>>, %arg19: memref<!tpu.dma_semaphore, #tpu.memory_space<semaphore_mem>>, %arg20: memref<!tpu.dma_semaphore, #tpu.memory_space<semaphore_mem>>, %arg21: memref<!tpu.dma_semaphore, #tpu.memory_space<semaphore_mem>>, %arg22: memref<!tpu.dma_semaphore, #tpu.memory_space<semaphore_mem>>, %arg23: memref<!tpu.dma_semaphore, #tpu.memory_space<semaphore_mem>>, %arg24: memref<!tpu.dma_semaphore, #tpu.memory_space<semaphore_mem>>, %arg25: memref<!tpu.dma_semaphore, #tpu.memory_space<semaphore_mem>>, %arg26: memref<!tpu.dma_semaphore, #tpu.memory_space<semaphore_mem>>, %arg27: memref<!tpu.dma_semaphore, #tpu.memory_space<semaphore_mem>>, %arg28: memref<!tpu.dma_semaphore, #tpu.memory_space<semaphore_mem>>, %arg29: memref<!tpu.dma_semaphore, #tpu.memory_space<semaphore_mem>>) attributes {dimension_semantics = [#tpu.dimension_semantics<core_parallel>, #tpu.dimension_semantics<subcore_parallel>], iteration_bounds = array<i64: 2, 16>, scalar_prefetch = 0 : i64, scratch_operands = 25 : i64, tpu.core_type = #tpu.core_type<sc_vector_subcore>, window_params = [{transform_indices = #map}, {transform_indices = #map1}, {transform_indices = #map1}]} {
    %mul3A = arith.constant 2 : i32
    %mul3A_0 = arith.muli %arg1, %mul3A : i32
    %add3A = arith.addi %mul3A_0, %arg0 : i32
    %mul3A_1 = arith.constant 6400 : i32
    %mul3A_2 = arith.muli %add3A, %mul3A_1 : i32
    "tpu.region"() ({
      %run_scoped3A = tpu.sem_alloc : memref<!tpu.dma_semaphore, #tpu.memory_space<semaphore_mem>>
      %dma_start3A_48 = tpu.memref_slice %arg2[%mul3A_2] : memref<204800xi32, #tpu.memory_space<hbm>> -> memref<6400xi32, #tpu.memory_space<hbm>>
      %dma_start3A_49 = tpu.memref_slice %arg2[%mul3A_2] : memref<204800xi32, #tpu.memory_space<hbm>> -> memref<6400xi32, #tpu.memory_space<hbm>>
      tpu.enqueue_dma source(%dma_start3A_49 : memref<6400xi32, #tpu.memory_space<hbm>>) target(%arg5 : memref<6400xi32, #tpu.memory_space<vmem>>) target_semaphore(%run_scoped3A : memref<!tpu.dma_semaphore, #tpu.memory_space<semaphore_mem>>)
      %dma_wait3A_50 = tpu.memref_slice %arg2[%mul3A_2] : memref<204800xi32, #tpu.memory_space<hbm>> -> memref<6400xi32, #tpu.memory_space<hbm>>
      %dma_wait3A_51 = tpu.memref_slice %arg2[%mul3A_2] : memref<204800xi32, #tpu.memory_space<hbm>> -> memref<6400xi32, #tpu.memory_space<hbm>>
      tpu.wait_dma2 semaphore(%run_scoped3A : memref<!tpu.dma_semaphore, #tpu.memory_space<semaphore_mem>>) src(%dma_wait3A_51 : memref<6400xi32, #tpu.memory_space<hbm>>) dst(%arg5 : memref<6400xi32, #tpu.memory_space<vmem>>)
      tpu.yield
    }) : () -> ()
    %dma_start3A = arith.constant 0 : i32
    %dma_start3A_3 = tpu.memref_slice %arg5[%dma_start3A] : memref<6400xi32, #tpu.memory_space<vmem>> -> memref<80xi32, #tpu.memory_space<vmem>>
    %dma_start3A_4 = arith.constant 0 : i32
    %dma_start3A_5 = arith.constant 0 : i32
    %dma_start3A_6 = tpu.memref_slice %arg3[%dma_start3A_4, %dma_start3A_5] : memref<100000x128xf32, #tpu.memory_space<hbm>> -> memref<100000x128xf32, #tpu.memory_space<hbm>>
    tpu.enqueue_indirect_dma source(%dma_start3A_6 : memref<100000x128xf32, #tpu.memory_space<hbm>>) target(%arg6 : memref<80x128xf32, #tpu.memory_space<vmem>>) offsets(%dma_start3A_3 : memref<80xi32, #tpu.memory_space<vmem>>) semaphore(%arg14 : memref<!tpu.dma_semaphore, #tpu.memory_space<semaphore_mem>>)
    %dma_start3A_7 = arith.constant 80 : i32
    %dma_start3A_8 = tpu.memref_slice %arg5[%dma_start3A_7] : memref<6400xi32, #tpu.memory_space<vmem>> -> memref<80xi32, #tpu.memory_space<vmem>>
    %dma_start3A_9 = arith.constant 0 : i32
    %dma_start3A_10 = arith.constant 0 : i32
    %dma_start3A_11 = tpu.memref_slice %arg3[%dma_start3A_9, %dma_start3A_10] : memref<100000x128xf32, #tpu.memory_space<hbm>> -> memref<100000x128xf32, #tpu.memory_space<hbm>>
    tpu.enqueue_indirect_dma source(%dma_start3A_11 : memref<100000x128xf32, #tpu.memory_space<hbm>>) target(%arg7 : memref<80x128xf32, #tpu.memory_space<vmem>>) offsets(%dma_start3A_8 : memref<80xi32, #tpu.memory_space<vmem>>) semaphore(%arg15 : memref<!tpu.dma_semaphore, #tpu.memory_space<semaphore_mem>>)
    %dma_start3A_12 = arith.constant 160 : i32
    %dma_start3A_13 = tpu.memref_slice %arg5[%dma_start3A_12] : memref<6400xi32, #tpu.memory_space<vmem>> -> memref<80xi32, #tpu.memory_space<vmem>>
    %dma_start3A_14 = arith.constant 0 : i32
    %dma_start3A_15 = arith.constant 0 : i32
    %dma_start3A_16 = tpu.memref_slice %arg3[%dma_start3A_14, %dma_start3A_15] : memref<100000x128xf32, #tpu.memory_space<hbm>> -> memref<100000x128xf32, #tpu.memory_space<hbm>>
    tpu.enqueue_indirect_dma source(%dma_start3A_16 : memref<100000x128xf32, #tpu.memory_space<hbm>>) target(%arg8 : memref<80x128xf32, #tpu.memory_space<vmem>>) offsets(%dma_start3A_13 : memref<80xi32, #tpu.memory_space<vmem>>) semaphore(%arg16 : memref<!tpu.dma_semaphore, #tpu.memory_space<semaphore_mem>>)
    %dma_start3A_17 = arith.constant 240 : i32
    %dma_start3A_18 = tpu.memref_slice %arg5[%dma_start3A_17] : memref<6400xi32, #tpu.memory_space<vmem>> -> memref<80xi32, #tpu.memory_space<vmem>>
    %dma_start3A_19 = arith.constant 0 : i32
    %dma_start3A_20 = arith.constant 0 : i32
    %dma_start3A_21 = tpu.memref_slice %arg3[%dma_start3A_19, %dma_start3A_20] : memref<100000x128xf32, #tpu.memory_space<hbm>> -> memref<100000x128xf32, #tpu.memory_space<hbm>>
    tpu.enqueue_indirect_dma source(%dma_start3A_21 : memref<100000x128xf32, #tpu.memory_space<hbm>>) target(%arg9 : memref<80x128xf32, #tpu.memory_space<vmem>>) offsets(%dma_start3A_18 : memref<80xi32, #tpu.memory_space<vmem>>) semaphore(%arg17 : memref<!tpu.dma_semaphore, #tpu.memory_space<semaphore_mem>>)
    %dma_start3A_22 = arith.constant 320 : i32
    %dma_start3A_23 = tpu.memref_slice %arg5[%dma_start3A_22] : memref<6400xi32, #tpu.memory_space<vmem>> -> memref<80xi32, #tpu.memory_space<vmem>>
    %dma_start3A_24 = arith.constant 0 : i32
    %dma_start3A_25 = arith.constant 0 : i32
    %dma_start3A_26 = tpu.memref_slice %arg3[%dma_start3A_24, %dma_start3A_25] : memref<100000x128xf32, #tpu.memory_space<hbm>> -> memref<100000x128xf32, #tpu.memory_space<hbm>>
    tpu.enqueue_indirect_dma source(%dma_start3A_26 : memref<100000x128xf32, #tpu.memory_space<hbm>>) target(%arg10 : memref<80x128xf32, #tpu.memory_space<vmem>>) offsets(%dma_start3A_23 : memref<80xi32, #tpu.memory_space<vmem>>) semaphore(%arg18 : memref<!tpu.dma_semaphore, #tpu.memory_space<semaphore_mem>>)
    %dma_start3A_27 = arith.constant 400 : i32
    %dma_start3A_28 = tpu.memref_slice %arg5[%dma_start3A_27] : memref<6400xi32, #tpu.memory_space<vmem>> -> memref<80xi32, #tpu.memory_space<vmem>>
    %dma_start3A_29 = arith.constant 0 : i32
    %dma_start3A_30 = arith.constant 0 : i32
    %dma_start3A_31 = tpu.memref_slice %arg3[%dma_start3A_29, %dma_start3A_30] : memref<100000x128xf32, #tpu.memory_space<hbm>> -> memref<100000x128xf32, #tpu.memory_space<hbm>>
    tpu.enqueue_indirect_dma source(%dma_start3A_31 : memref<100000x128xf32, #tpu.memory_space<hbm>>) target(%arg11 : memref<80x128xf32, #tpu.memory_space<vmem>>) offsets(%dma_start3A_28 : memref<80xi32, #tpu.memory_space<vmem>>) semaphore(%arg19 : memref<!tpu.dma_semaphore, #tpu.memory_space<semaphore_mem>>)
    %scan3A = arith.constant 0 : i32
    %scan3A_32 = arith.constant 0 : i32
    %scan3A_33 = arith.constant 10 : i32
    %scan3A_34 = arith.addi %scan3A_32, %scan3A_33 : i32
    %scan3A_35 = arith.constant 1 : i32
    scf.for %scan3A_48 = %scan3A_32 to %scan3A_34 step %scan3A_35  : i32 {
      %mul3A_49 = arith.constant 8 : i32
      %mul3A_50 = arith.muli %scan3A_48, %mul3A_49 : i32
      %add3A_51 = arith.constant 0 : i32
      %add3A_52 = arith.addi %mul3A_50, %add3A_51 : i32
      %ge3A = arith.constant 2 : i32
      %ge3A_53 = arith.cmpi sge, %add3A_52, %ge3A : i32
      %convert_element_type3A = arith.extui %ge3A_53 : i1 to i32
      %cond3A = arith.constant 0 : i32
      %cond3A_54 = arith.cmpi ne, %convert_element_type3A, %cond3A : i32
      scf.if %cond3A_54 {
        %sub3A = arith.constant 2 : i32
        %sub3A_277 = arith.subi %add3A_52, %sub3A : i32
        %mul3A_278 = arith.constant 80 : i32
        %mul3A_279 = arith.muli %sub3A_277, %mul3A_278 : i32
        %add3A_280 = arith.addi %mul3A_2, %mul3A_279 : i32
        %dma_wait3A_281 = arith.constant 0 : i32
        %dma_wait3A_282 = tpu.memref_slice %arg4[%add3A_280, %dma_wait3A_281] : memref<204800x128xf32, #tpu.memory_space<hbm>> -> memref<80x128xf32, #tpu.memory_space<hbm>>
        %dma_wait3A_283 = arith.constant 0 : i32
        %dma_wait3A_284 = tpu.memref_slice %arg4[%add3A_280, %dma_wait3A_283] : memref<204800x128xf32, #tpu.memory_space<hbm>> -> memref<80x128xf32, #tpu.memory_space<hbm>>
        tpu.wait_dma2 semaphore(%arg28 : memref<!tpu.dma_semaphore, #tpu.memory_space<semaphore_mem>>) src(%arg12 : memref<80x128xf32, #tpu.memory_space<vmem>>) dst(%dma_wait3A_284 : memref<80x128xf32, #tpu.memory_space<hbm>>)
      } else {
      }
      %add3A_55 = arith.constant 6 : i32
      %add3A_56 = arith.addi %add3A_52, %add3A_55 : i32
      %lt3A = arith.constant 80 : i32
      %lt3A_57 = arith.cmpi slt, %add3A_56, %lt3A : i32
      %convert_element_type3A_58 = arith.extui %lt3A_57 : i1 to i32
      %cond3A_59 = arith.constant 0 : i32
      %cond3A_60 = arith.cmpi ne, %convert_element_type3A_58, %cond3A_59 : i32
      scf.if %cond3A_60 {
        %add3A_277 = arith.constant 6 : i32
        %add3A_278 = arith.addi %add3A_52, %add3A_277 : i32
        %mul3A_279 = arith.constant 80 : i32
        %mul3A_280 = arith.muli %add3A_278, %mul3A_279 : i32
        %dma_start3A_281 = tpu.memref_slice %arg5[%mul3A_280] : memref<6400xi32, #tpu.memory_space<vmem>> -> memref<80xi32, #tpu.memory_space<vmem>>
        %dma_start3A_282 = arith.constant 0 : i32
        %dma_start3A_283 = arith.constant 0 : i32
        %dma_start3A_284 = tpu.memref_slice %arg3[%dma_start3A_282, %dma_start3A_283] : memref<100000x128xf32, #tpu.memory_space<hbm>> -> memref<100000x128xf32, #tpu.memory_space<hbm>>
        tpu.enqueue_indirect_dma source(%dma_start3A_284 : memref<100000x128xf32, #tpu.memory_space<hbm>>) target(%arg12 : memref<80x128xf32, #tpu.memory_space<vmem>>) offsets(%dma_start3A_281 : memref<80xi32, #tpu.memory_space<vmem>>) semaphore(%arg20 : memref<!tpu.dma_semaphore, #tpu.memory_space<semaphore_mem>>)
      } else {
      }
      %mul3A_61 = arith.constant 80 : i32
      %mul3A_62 = arith.muli %add3A_52, %mul3A_61 : i32
      %dma_wait3A_63 = tpu.memref_slice %arg5[%mul3A_62] : memref<6400xi32, #tpu.memory_space<vmem>> -> memref<80xi32, #tpu.memory_space<vmem>>
      %dma_wait3A_64 = arith.constant 0 : i32
      %dma_wait3A_65 = arith.constant 0 : i32
      %dma_wait3A_66 = tpu.memref_slice %arg3[%dma_wait3A_64, %dma_wait3A_65] : memref<100000x128xf32, #tpu.memory_space<hbm>> -> memref<100000x128xf32, #tpu.memory_space<hbm>>
      tpu.wait_indirect_dma semaphore(%arg14 : memref<!tpu.dma_semaphore, #tpu.memory_space<semaphore_mem>>) src(%dma_wait3A_66 : memref<100000x128xf32, #tpu.memory_space<hbm>>) dst(%arg6 : memref<80x128xf32, #tpu.memory_space<vmem>>)
      %mul3A_67 = arith.constant 80 : i32
      %mul3A_68 = arith.muli %add3A_52, %mul3A_67 : i32
      %add3A_69 = arith.addi %mul3A_2, %mul3A_68 : i32
      %dma_start3A_70 = arith.constant 0 : i32
      %dma_start3A_71 = tpu.memref_slice %arg4[%add3A_69, %dma_start3A_70] : memref<204800x128xf32, #tpu.memory_space<hbm>> -> memref<80x128xf32, #tpu.memory_space<hbm>>
      %dma_start3A_72 = arith.constant 0 : i32
      %dma_start3A_73 = tpu.memref_slice %arg4[%add3A_69, %dma_start3A_72] : memref<204800x128xf32, #tpu.memory_space<hbm>> -> memref<80x128xf32, #tpu.memory_space<hbm>>
      tpu.enqueue_dma source(%arg6 : memref<80x128xf32, #tpu.memory_space<vmem>>) target(%dma_start3A_73 : memref<80x128xf32, #tpu.memory_space<hbm>>) target_semaphore(%arg22 : memref<!tpu.dma_semaphore, #tpu.memory_space<semaphore_mem>>)
      %mul3A_74 = arith.constant 8 : i32
      %mul3A_75 = arith.muli %scan3A_48, %mul3A_74 : i32
      %add3A_76 = arith.constant 1 : i32
      %add3A_77 = arith.addi %mul3A_75, %add3A_76 : i32
      %ge3A_78 = arith.constant 2 : i32
      %ge3A_79 = arith.cmpi sge, %add3A_77, %ge3A_78 : i32
      %convert_element_type3A_80 = arith.extui %ge3A_79 : i1 to i32
      %cond3A_81 = arith.constant 0 : i32
      %cond3A_82 = arith.cmpi ne, %convert_element_type3A_80, %cond3A_81 : i32
      scf.if %cond3A_82 {
        %sub3A = arith.constant 2 : i32
        %sub3A_277 = arith.subi %add3A_77, %sub3A : i32
        %mul3A_278 = arith.constant 80 : i32
        %mul3A_279 = arith.muli %sub3A_277, %mul3A_278 : i32
        %add3A_280 = arith.addi %mul3A_2, %mul3A_279 : i32
        %dma_wait3A_281 = arith.constant 0 : i32
        %dma_wait3A_282 = tpu.memref_slice %arg4[%add3A_280, %dma_wait3A_281] : memref<204800x128xf32, #tpu.memory_space<hbm>> -> memref<80x128xf32, #tpu.memory_space<hbm>>
        %dma_wait3A_283 = arith.constant 0 : i32
        %dma_wait3A_284 = tpu.memref_slice %arg4[%add3A_280, %dma_wait3A_283] : memref<204800x128xf32, #tpu.memory_space<hbm>> -> memref<80x128xf32, #tpu.memory_space<hbm>>
        tpu.wait_dma2 semaphore(%arg29 : memref<!tpu.dma_semaphore, #tpu.memory_space<semaphore_mem>>) src(%arg13 : memref<80x128xf32, #tpu.memory_space<vmem>>) dst(%dma_wait3A_284 : memref<80x128xf32, #tpu.memory_space<hbm>>)
      } else {
      }
      %add3A_83 = arith.constant 6 : i32
      %add3A_84 = arith.addi %add3A_77, %add3A_83 : i32
      %lt3A_85 = arith.constant 80 : i32
      %lt3A_86 = arith.cmpi slt, %add3A_84, %lt3A_85 : i32
      %convert_element_type3A_87 = arith.extui %lt3A_86 : i1 to i32
      %cond3A_88 = arith.constant 0 : i32
      %cond3A_89 = arith.cmpi ne, %convert_element_type3A_87, %cond3A_88 : i32
      scf.if %cond3A_89 {
        %add3A_277 = arith.constant 6 : i32
        %add3A_278 = arith.addi %add3A_77, %add3A_277 : i32
        %mul3A_279 = arith.constant 80 : i32
        %mul3A_280 = arith.muli %add3A_278, %mul3A_279 : i32
        %dma_start3A_281 = tpu.memref_slice %arg5[%mul3A_280] : memref<6400xi32, #tpu.memory_space<vmem>> -> memref<80xi32, #tpu.memory_space<vmem>>
        %dma_start3A_282 = arith.constant 0 : i32
        %dma_start3A_283 = arith.constant 0 : i32
        %dma_start3A_284 = tpu.memref_slice %arg3[%dma_start3A_282, %dma_start3A_283] : memref<100000x128xf32, #tpu.memory_space<hbm>> -> memref<100000x128xf32, #tpu.memory_space<hbm>>
        tpu.enqueue_indirect_dma source(%dma_start3A_284 : memref<100000x128xf32, #tpu.memory_space<hbm>>) target(%arg13 : memref<80x128xf32, #tpu.memory_space<vmem>>) offsets(%dma_start3A_281 : memref<80xi32, #tpu.memory_space<vmem>>) semaphore(%arg21 : memref<!tpu.dma_semaphore, #tpu.memory_space<semaphore_mem>>)
      } else {
      }
      %mul3A_90 = arith.constant 80 : i32
      %mul3A_91 = arith.muli %add3A_77, %mul3A_90 : i32
      %dma_wait3A_92 = tpu.memref_slice %arg5[%mul3A_91] : memref<6400xi32, #tpu.memory_space<vmem>> -> memref<80xi32, #tpu.memory_space<vmem>>
      %dma_wait3A_93 = arith.constant 0 : i32
      %dma_wait3A_94 = arith.constant 0 : i32
      %dma_wait3A_95 = tpu.memref_slice %arg3[%dma_wait3A_93, %dma_wait3A_94] : memref<100000x128xf32, #tpu.memory_space<hbm>> -> memref<100000x128xf32, #tpu.memory_space<hbm>>
      tpu.wait_indirect_dma semaphore(%arg15 : memref<!tpu.dma_semaphore, #tpu.memory_space<semaphore_mem>>) src(%dma_wait3A_95 : memref<100000x128xf32, #tpu.memory_space<hbm>>) dst(%arg7 : memref<80x128xf32, #tpu.memory_space<vmem>>)
      %mul3A_96 = arith.constant 80 : i32
      %mul3A_97 = arith.muli %add3A_77, %mul3A_96 : i32
      %add3A_98 = arith.addi %mul3A_2, %mul3A_97 : i32
      %dma_start3A_99 = arith.constant 0 : i32
      %dma_start3A_100 = tpu.memref_slice %arg4[%add3A_98, %dma_start3A_99] : memref<204800x128xf32, #tpu.memory_space<hbm>> -> memref<80x128xf32, #tpu.memory_space<hbm>>
      %dma_start3A_101 = arith.constant 0 : i32
      %dma_start3A_102 = tpu.memref_slice %arg4[%add3A_98, %dma_start3A_101] : memref<204800x128xf32, #tpu.memory_space<hbm>> -> memref<80x128xf32, #tpu.memory_space<hbm>>
      tpu.enqueue_dma source(%arg7 : memref<80x128xf32, #tpu.memory_space<vmem>>) target(%dma_start3A_102 : memref<80x128xf32, #tpu.memory_space<hbm>>) target_semaphore(%arg23 : memref<!tpu.dma_semaphore, #tpu.memory_space<semaphore_mem>>)
      %mul3A_103 = arith.constant 8 : i32
      %mul3A_104 = arith.muli %scan3A_48, %mul3A_103 : i32
      %add3A_105 = arith.constant 2 : i32
      %add3A_106 = arith.addi %mul3A_104, %add3A_105 : i32
      %ge3A_107 = arith.constant 2 : i32
      %ge3A_108 = arith.cmpi sge, %add3A_106, %ge3A_107 : i32
      %convert_element_type3A_109 = arith.extui %ge3A_108 : i1 to i32
      %cond3A_110 = arith.constant 0 : i32
      %cond3A_111 = arith.cmpi ne, %convert_element_type3A_109, %cond3A_110 : i32
      scf.if %cond3A_111 {
        %sub3A = arith.constant 2 : i32
        %sub3A_277 = arith.subi %add3A_106, %sub3A : i32
        %mul3A_278 = arith.constant 80 : i32
        %mul3A_279 = arith.muli %sub3A_277, %mul3A_278 : i32
        %add3A_280 = arith.addi %mul3A_2, %mul3A_279 : i32
        %dma_wait3A_281 = arith.constant 0 : i32
        %dma_wait3A_282 = tpu.memref_slice %arg4[%add3A_280, %dma_wait3A_281] : memref<204800x128xf32, #tpu.memory_space<hbm>> -> memref<80x128xf32, #tpu.memory_space<hbm>>
        %dma_wait3A_283 = arith.constant 0 : i32
        %dma_wait3A_284 = tpu.memref_slice %arg4[%add3A_280, %dma_wait3A_283] : memref<204800x128xf32, #tpu.memory_space<hbm>> -> memref<80x128xf32, #tpu.memory_space<hbm>>
        tpu.wait_dma2 semaphore(%arg22 : memref<!tpu.dma_semaphore, #tpu.memory_space<semaphore_mem>>) src(%arg6 : memref<80x128xf32, #tpu.memory_space<vmem>>) dst(%dma_wait3A_284 : memref<80x128xf32, #tpu.memory_space<hbm>>)
      } else {
      }
      %add3A_112 = arith.constant 6 : i32
      %add3A_113 = arith.addi %add3A_106, %add3A_112 : i32
      %lt3A_114 = arith.constant 80 : i32
      %lt3A_115 = arith.cmpi slt, %add3A_113, %lt3A_114 : i32
      %convert_element_type3A_116 = arith.extui %lt3A_115 : i1 to i32
      %cond3A_117 = arith.constant 0 : i32
      %cond3A_118 = arith.cmpi ne, %convert_element_type3A_116, %cond3A_117 : i32
      scf.if %cond3A_118 {
        %add3A_277 = arith.constant 6 : i32
        %add3A_278 = arith.addi %add3A_106, %add3A_277 : i32
        %mul3A_279 = arith.constant 80 : i32
        %mul3A_280 = arith.muli %add3A_278, %mul3A_279 : i32
        %dma_start3A_281 = tpu.memref_slice %arg5[%mul3A_280] : memref<6400xi32, #tpu.memory_space<vmem>> -> memref<80xi32, #tpu.memory_space<vmem>>
        %dma_start3A_282 = arith.constant 0 : i32
        %dma_start3A_283 = arith.constant 0 : i32
        %dma_start3A_284 = tpu.memref_slice %arg3[%dma_start3A_282, %dma_start3A_283] : memref<100000x128xf32, #tpu.memory_space<hbm>> -> memref<100000x128xf32, #tpu.memory_space<hbm>>
        tpu.enqueue_indirect_dma source(%dma_start3A_284 : memref<100000x128xf32, #tpu.memory_space<hbm>>) target(%arg6 : memref<80x128xf32, #tpu.memory_space<vmem>>) offsets(%dma_start3A_281 : memref<80xi32, #tpu.memory_space<vmem>>) semaphore(%arg14 : memref<!tpu.dma_semaphore, #tpu.memory_space<semaphore_mem>>)
      } else {
      }
      %mul3A_119 = arith.constant 80 : i32
      %mul3A_120 = arith.muli %add3A_106, %mul3A_119 : i32
      %dma_wait3A_121 = tpu.memref_slice %arg5[%mul3A_120] : memref<6400xi32, #tpu.memory_space<vmem>> -> memref<80xi32, #tpu.memory_space<vmem>>
      %dma_wait3A_122 = arith.constant 0 : i32
      %dma_wait3A_123 = arith.constant 0 : i32
      %dma_wait3A_124 = tpu.memref_slice %arg3[%dma_wait3A_122, %dma_wait3A_123] : memref<100000x128xf32, #tpu.memory_space<hbm>> -> memref<100000x128xf32, #tpu.memory_space<hbm>>
      tpu.wait_indirect_dma semaphore(%arg16 : memref<!tpu.dma_semaphore, #tpu.memory_space<semaphore_mem>>) src(%dma_wait3A_124 : memref<100000x128xf32, #tpu.memory_space<hbm>>) dst(%arg8 : memref<80x128xf32, #tpu.memory_space<vmem>>)
      %mul3A_125 = arith.constant 80 : i32
      %mul3A_126 = arith.muli %add3A_106, %mul3A_125 : i32
      %add3A_127 = arith.addi %mul3A_2, %mul3A_126 : i32
      %dma_start3A_128 = arith.constant 0 : i32
      %dma_start3A_129 = tpu.memref_slice %arg4[%add3A_127, %dma_start3A_128] : memref<204800x128xf32, #tpu.memory_space<hbm>> -> memref<80x128xf32, #tpu.memory_space<hbm>>
      %dma_start3A_130 = arith.constant 0 : i32
      %dma_start3A_131 = tpu.memref_slice %arg4[%add3A_127, %dma_start3A_130] : memref<204800x128xf32, #tpu.memory_space<hbm>> -> memref<80x128xf32, #tpu.memory_space<hbm>>
      tpu.enqueue_dma source(%arg8 : memref<80x128xf32, #tpu.memory_space<vmem>>) target(%dma_start3A_131 : memref<80x128xf32, #tpu.memory_space<hbm>>) target_semaphore(%arg24 : memref<!tpu.dma_semaphore, #tpu.memory_space<semaphore_mem>>)
      %mul3A_132 = arith.constant 8 : i32
      %mul3A_133 = arith.muli %scan3A_48, %mul3A_132 : i32
      %add3A_134 = arith.constant 3 : i32
      %add3A_135 = arith.addi %mul3A_133, %add3A_134 : i32
      %ge3A_136 = arith.constant 2 : i32
      %ge3A_137 = arith.cmpi sge, %add3A_135, %ge3A_136 : i32
      %convert_element_type3A_138 = arith.extui %ge3A_137 : i1 to i32
      %cond3A_139 = arith.constant 0 : i32
      %cond3A_140 = arith.cmpi ne, %convert_element_type3A_138, %cond3A_139 : i32
      scf.if %cond3A_140 {
        %sub3A = arith.constant 2 : i32
        %sub3A_277 = arith.subi %add3A_135, %sub3A : i32
        %mul3A_278 = arith.constant 80 : i32
        %mul3A_279 = arith.muli %sub3A_277, %mul3A_278 : i32
        %add3A_280 = arith.addi %mul3A_2, %mul3A_279 : i32
        %dma_wait3A_281 = arith.constant 0 : i32
        %dma_wait3A_282 = tpu.memref_slice %arg4[%add3A_280, %dma_wait3A_281] : memref<204800x128xf32, #tpu.memory_space<hbm>> -> memref<80x128xf32, #tpu.memory_space<hbm>>
        %dma_wait3A_283 = arith.constant 0 : i32
        %dma_wait3A_284 = tpu.memref_slice %arg4[%add3A_280, %dma_wait3A_283] : memref<204800x128xf32, #tpu.memory_space<hbm>> -> memref<80x128xf32, #tpu.memory_space<hbm>>
        tpu.wait_dma2 semaphore(%arg23 : memref<!tpu.dma_semaphore, #tpu.memory_space<semaphore_mem>>) src(%arg7 : memref<80x128xf32, #tpu.memory_space<vmem>>) dst(%dma_wait3A_284 : memref<80x128xf32, #tpu.memory_space<hbm>>)
      } else {
      }
      %add3A_141 = arith.constant 6 : i32
      %add3A_142 = arith.addi %add3A_135, %add3A_141 : i32
      %lt3A_143 = arith.constant 80 : i32
      %lt3A_144 = arith.cmpi slt, %add3A_142, %lt3A_143 : i32
      %convert_element_type3A_145 = arith.extui %lt3A_144 : i1 to i32
      %cond3A_146 = arith.constant 0 : i32
      %cond3A_147 = arith.cmpi ne, %convert_element_type3A_145, %cond3A_146 : i32
      scf.if %cond3A_147 {
        %add3A_277 = arith.constant 6 : i32
        %add3A_278 = arith.addi %add3A_135, %add3A_277 : i32
        %mul3A_279 = arith.constant 80 : i32
        %mul3A_280 = arith.muli %add3A_278, %mul3A_279 : i32
        %dma_start3A_281 = tpu.memref_slice %arg5[%mul3A_280] : memref<6400xi32, #tpu.memory_space<vmem>> -> memref<80xi32, #tpu.memory_space<vmem>>
        %dma_start3A_282 = arith.constant 0 : i32
        %dma_start3A_283 = arith.constant 0 : i32
        %dma_start3A_284 = tpu.memref_slice %arg3[%dma_start3A_282, %dma_start3A_283] : memref<100000x128xf32, #tpu.memory_space<hbm>> -> memref<100000x128xf32, #tpu.memory_space<hbm>>
        tpu.enqueue_indirect_dma source(%dma_start3A_284 : memref<100000x128xf32, #tpu.memory_space<hbm>>) target(%arg7 : memref<80x128xf32, #tpu.memory_space<vmem>>) offsets(%dma_start3A_281 : memref<80xi32, #tpu.memory_space<vmem>>) semaphore(%arg15 : memref<!tpu.dma_semaphore, #tpu.memory_space<semaphore_mem>>)
      } else {
      }
      %mul3A_148 = arith.constant 80 : i32
      %mul3A_149 = arith.muli %add3A_135, %mul3A_148 : i32
      %dma_wait3A_150 = tpu.memref_slice %arg5[%mul3A_149] : memref<6400xi32, #tpu.memory_space<vmem>> -> memref<80xi32, #tpu.memory_space<vmem>>
      %dma_wait3A_151 = arith.constant 0 : i32
      %dma_wait3A_152 = arith.constant 0 : i32
      %dma_wait3A_153 = tpu.memref_slice %arg3[%dma_wait3A_151, %dma_wait3A_152] : memref<100000x128xf32, #tpu.memory_space<hbm>> -> memref<100000x128xf32, #tpu.memory_space<hbm>>
      tpu.wait_indirect_dma semaphore(%arg17 : memref<!tpu.dma_semaphore, #tpu.memory_space<semaphore_mem>>) src(%dma_wait3A_153 : memref<100000x128xf32, #tpu.memory_space<hbm>>) dst(%arg9 : memref<80x128xf32, #tpu.memory_space<vmem>>)
      %mul3A_154 = arith.constant 80 : i32
      %mul3A_155 = arith.muli %add3A_135, %mul3A_154 : i32
      %add3A_156 = arith.addi %mul3A_2, %mul3A_155 : i32
      %dma_start3A_157 = arith.constant 0 : i32
      %dma_start3A_158 = tpu.memref_slice %arg4[%add3A_156, %dma_start3A_157] : memref<204800x128xf32, #tpu.memory_space<hbm>> -> memref<80x128xf32, #tpu.memory_space<hbm>>
      %dma_start3A_159 = arith.constant 0 : i32
      %dma_start3A_160 = tpu.memref_slice %arg4[%add3A_156, %dma_start3A_159] : memref<204800x128xf32, #tpu.memory_space<hbm>> -> memref<80x128xf32, #tpu.memory_space<hbm>>
      tpu.enqueue_dma source(%arg9 : memref<80x128xf32, #tpu.memory_space<vmem>>) target(%dma_start3A_160 : memref<80x128xf32, #tpu.memory_space<hbm>>) target_semaphore(%arg25 : memref<!tpu.dma_semaphore, #tpu.memory_space<semaphore_mem>>)
      %mul3A_161 = arith.constant 8 : i32
      %mul3A_162 = arith.muli %scan3A_48, %mul3A_161 : i32
      %add3A_163 = arith.constant 4 : i32
      %add3A_164 = arith.addi %mul3A_162, %add3A_163 : i32
      %ge3A_165 = arith.constant 2 : i32
      %ge3A_166 = arith.cmpi sge, %add3A_164, %ge3A_165 : i32
      %convert_element_type3A_167 = arith.extui %ge3A_166 : i1 to i32
      %cond3A_168 = arith.constant 0 : i32
      %cond3A_169 = arith.cmpi ne, %convert_element_type3A_167, %cond3A_168 : i32
      scf.if %cond3A_169 {
        %sub3A = arith.constant 2 : i32
        %sub3A_277 = arith.subi %add3A_164, %sub3A : i32
        %mul3A_278 = arith.constant 80 : i32
        %mul3A_279 = arith.muli %sub3A_277, %mul3A_278 : i32
        %add3A_280 = arith.addi %mul3A_2, %mul3A_279 : i32
        %dma_wait3A_281 = arith.constant 0 : i32
        %dma_wait3A_282 = tpu.memref_slice %arg4[%add3A_280, %dma_wait3A_281] : memref<204800x128xf32, #tpu.memory_space<hbm>> -> memref<80x128xf32, #tpu.memory_space<hbm>>
        %dma_wait3A_283 = arith.constant 0 : i32
        %dma_wait3A_284 = tpu.memref_slice %arg4[%add3A_280, %dma_wait3A_283] : memref<204800x128xf32, #tpu.memory_space<hbm>> -> memref<80x128xf32, #tpu.memory_space<hbm>>
        tpu.wait_dma2 semaphore(%arg24 : memref<!tpu.dma_semaphore, #tpu.memory_space<semaphore_mem>>) src(%arg8 : memref<80x128xf32, #tpu.memory_space<vmem>>) dst(%dma_wait3A_284 : memref<80x128xf32, #tpu.memory_space<hbm>>)
      } else {
      }
      %add3A_170 = arith.constant 6 : i32
      %add3A_171 = arith.addi %add3A_164, %add3A_170 : i32
      %lt3A_172 = arith.constant 80 : i32
      %lt3A_173 = arith.cmpi slt, %add3A_171, %lt3A_172 : i32
      %convert_element_type3A_174 = arith.extui %lt3A_173 : i1 to i32
      %cond3A_175 = arith.constant 0 : i32
      %cond3A_176 = arith.cmpi ne, %convert_element_type3A_174, %cond3A_175 : i32
      scf.if %cond3A_176 {
        %add3A_277 = arith.constant 6 : i32
        %add3A_278 = arith.addi %add3A_164, %add3A_277 : i32
        %mul3A_279 = arith.constant 80 : i32
        %mul3A_280 = arith.muli %add3A_278, %mul3A_279 : i32
        %dma_start3A_281 = tpu.memref_slice %arg5[%mul3A_280] : memref<6400xi32, #tpu.memory_space<vmem>> -> memref<80xi32, #tpu.memory_space<vmem>>
        %dma_start3A_282 = arith.constant 0 : i32
        %dma_start3A_283 = arith.constant 0 : i32
        %dma_start3A_284 = tpu.memref_slice %arg3[%dma_start3A_282, %dma_start3A_283] : memref<100000x128xf32, #tpu.memory_space<hbm>> -> memref<100000x128xf32, #tpu.memory_space<hbm>>
        tpu.enqueue_indirect_dma source(%dma_start3A_284 : memref<100000x128xf32, #tpu.memory_space<hbm>>) target(%arg8 : memref<80x128xf32, #tpu.memory_space<vmem>>) offsets(%dma_start3A_281 : memref<80xi32, #tpu.memory_space<vmem>>) semaphore(%arg16 : memref<!tpu.dma_semaphore, #tpu.memory_space<semaphore_mem>>)
      } else {
      }
      %mul3A_177 = arith.constant 80 : i32
      %mul3A_178 = arith.muli %add3A_164, %mul3A_177 : i32
      %dma_wait3A_179 = tpu.memref_slice %arg5[%mul3A_178] : memref<6400xi32, #tpu.memory_space<vmem>> -> memref<80xi32, #tpu.memory_space<vmem>>
      %dma_wait3A_180 = arith.constant 0 : i32
      %dma_wait3A_181 = arith.constant 0 : i32
      %dma_wait3A_182 = tpu.memref_slice %arg3[%dma_wait3A_180, %dma_wait3A_181] : memref<100000x128xf32, #tpu.memory_space<hbm>> -> memref<100000x128xf32, #tpu.memory_space<hbm>>
      tpu.wait_indirect_dma semaphore(%arg18 : memref<!tpu.dma_semaphore, #tpu.memory_space<semaphore_mem>>) src(%dma_wait3A_182 : memref<100000x128xf32, #tpu.memory_space<hbm>>) dst(%arg10 : memref<80x128xf32, #tpu.memory_space<vmem>>)
      %mul3A_183 = arith.constant 80 : i32
      %mul3A_184 = arith.muli %add3A_164, %mul3A_183 : i32
      %add3A_185 = arith.addi %mul3A_2, %mul3A_184 : i32
      %dma_start3A_186 = arith.constant 0 : i32
      %dma_start3A_187 = tpu.memref_slice %arg4[%add3A_185, %dma_start3A_186] : memref<204800x128xf32, #tpu.memory_space<hbm>> -> memref<80x128xf32, #tpu.memory_space<hbm>>
      %dma_start3A_188 = arith.constant 0 : i32
      %dma_start3A_189 = tpu.memref_slice %arg4[%add3A_185, %dma_start3A_188] : memref<204800x128xf32, #tpu.memory_space<hbm>> -> memref<80x128xf32, #tpu.memory_space<hbm>>
      tpu.enqueue_dma source(%arg10 : memref<80x128xf32, #tpu.memory_space<vmem>>) target(%dma_start3A_189 : memref<80x128xf32, #tpu.memory_space<hbm>>) target_semaphore(%arg26 : memref<!tpu.dma_semaphore, #tpu.memory_space<semaphore_mem>>)
      %mul3A_190 = arith.constant 8 : i32
      %mul3A_191 = arith.muli %scan3A_48, %mul3A_190 : i32
      %add3A_192 = arith.constant 5 : i32
      %add3A_193 = arith.addi %mul3A_191, %add3A_192 : i32
      %ge3A_194 = arith.constant 2 : i32
      %ge3A_195 = arith.cmpi sge, %add3A_193, %ge3A_194 : i32
      %convert_element_type3A_196 = arith.extui %ge3A_195 : i1 to i32
      %cond3A_197 = arith.constant 0 : i32
      %cond3A_198 = arith.cmpi ne, %convert_element_type3A_196, %cond3A_197 : i32
      scf.if %cond3A_198 {
        %sub3A = arith.constant 2 : i32
        %sub3A_277 = arith.subi %add3A_193, %sub3A : i32
        %mul3A_278 = arith.constant 80 : i32
        %mul3A_279 = arith.muli %sub3A_277, %mul3A_278 : i32
        %add3A_280 = arith.addi %mul3A_2, %mul3A_279 : i32
        %dma_wait3A_281 = arith.constant 0 : i32
        %dma_wait3A_282 = tpu.memref_slice %arg4[%add3A_280, %dma_wait3A_281] : memref<204800x128xf32, #tpu.memory_space<hbm>> -> memref<80x128xf32, #tpu.memory_space<hbm>>
        %dma_wait3A_283 = arith.constant 0 : i32
        %dma_wait3A_284 = tpu.memref_slice %arg4[%add3A_280, %dma_wait3A_283] : memref<204800x128xf32, #tpu.memory_space<hbm>> -> memref<80x128xf32, #tpu.memory_space<hbm>>
        tpu.wait_dma2 semaphore(%arg25 : memref<!tpu.dma_semaphore, #tpu.memory_space<semaphore_mem>>) src(%arg9 : memref<80x128xf32, #tpu.memory_space<vmem>>) dst(%dma_wait3A_284 : memref<80x128xf32, #tpu.memory_space<hbm>>)
      } else {
      }
      %add3A_199 = arith.constant 6 : i32
      %add3A_200 = arith.addi %add3A_193, %add3A_199 : i32
      %lt3A_201 = arith.constant 80 : i32
      %lt3A_202 = arith.cmpi slt, %add3A_200, %lt3A_201 : i32
      %convert_element_type3A_203 = arith.extui %lt3A_202 : i1 to i32
      %cond3A_204 = arith.constant 0 : i32
      %cond3A_205 = arith.cmpi ne, %convert_element_type3A_203, %cond3A_204 : i32
      scf.if %cond3A_205 {
        %add3A_277 = arith.constant 6 : i32
        %add3A_278 = arith.addi %add3A_193, %add3A_277 : i32
        %mul3A_279 = arith.constant 80 : i32
        %mul3A_280 = arith.muli %add3A_278, %mul3A_279 : i32
        %dma_start3A_281 = tpu.memref_slice %arg5[%mul3A_280] : memref<6400xi32, #tpu.memory_space<vmem>> -> memref<80xi32, #tpu.memory_space<vmem>>
        %dma_start3A_282 = arith.constant 0 : i32
        %dma_start3A_283 = arith.constant 0 : i32
        %dma_start3A_284 = tpu.memref_slice %arg3[%dma_start3A_282, %dma_start3A_283] : memref<100000x128xf32, #tpu.memory_space<hbm>> -> memref<100000x128xf32, #tpu.memory_space<hbm>>
        tpu.enqueue_indirect_dma source(%dma_start3A_284 : memref<100000x128xf32, #tpu.memory_space<hbm>>) target(%arg9 : memref<80x128xf32, #tpu.memory_space<vmem>>) offsets(%dma_start3A_281 : memref<80xi32, #tpu.memory_space<vmem>>) semaphore(%arg17 : memref<!tpu.dma_semaphore, #tpu.memory_space<semaphore_mem>>)
      } else {
      }
      %mul3A_206 = arith.constant 80 : i32
      %mul3A_207 = arith.muli %add3A_193, %mul3A_206 : i32
      %dma_wait3A_208 = tpu.memref_slice %arg5[%mul3A_207] : memref<6400xi32, #tpu.memory_space<vmem>> -> memref<80xi32, #tpu.memory_space<vmem>>
      %dma_wait3A_209 = arith.constant 0 : i32
      %dma_wait3A_210 = arith.constant 0 : i32
      %dma_wait3A_211 = tpu.memref_slice %arg3[%dma_wait3A_209, %dma_wait3A_210] : memref<100000x128xf32, #tpu.memory_space<hbm>> -> memref<100000x128xf32, #tpu.memory_space<hbm>>
      tpu.wait_indirect_dma semaphore(%arg19 : memref<!tpu.dma_semaphore, #tpu.memory_space<semaphore_mem>>) src(%dma_wait3A_211 : memref<100000x128xf32, #tpu.memory_space<hbm>>) dst(%arg11 : memref<80x128xf32, #tpu.memory_space<vmem>>)
      %mul3A_212 = arith.constant 80 : i32
      %mul3A_213 = arith.muli %add3A_193, %mul3A_212 : i32
      %add3A_214 = arith.addi %mul3A_2, %mul3A_213 : i32
      %dma_start3A_215 = arith.constant 0 : i32
      %dma_start3A_216 = tpu.memref_slice %arg4[%add3A_214, %dma_start3A_215] : memref<204800x128xf32, #tpu.memory_space<hbm>> -> memref<80x128xf32, #tpu.memory_space<hbm>>
      %dma_start3A_217 = arith.constant 0 : i32
      %dma_start3A_218 = tpu.memref_slice %arg4[%add3A_214, %dma_start3A_217] : memref<204800x128xf32, #tpu.memory_space<hbm>> -> memref<80x128xf32, #tpu.memory_space<hbm>>
      tpu.enqueue_dma source(%arg11 : memref<80x128xf32, #tpu.memory_space<vmem>>) target(%dma_start3A_218 : memref<80x128xf32, #tpu.memory_space<hbm>>) target_semaphore(%arg27 : memref<!tpu.dma_semaphore, #tpu.memory_space<semaphore_mem>>)
      %mul3A_219 = arith.constant 8 : i32
      %mul3A_220 = arith.muli %scan3A_48, %mul3A_219 : i32
      %add3A_221 = arith.constant 6 : i32
      %add3A_222 = arith.addi %mul3A_220, %add3A_221 : i32
      %ge3A_223 = arith.constant 2 : i32
      %ge3A_224 = arith.cmpi sge, %add3A_222, %ge3A_223 : i32
      %convert_element_type3A_225 = arith.extui %ge3A_224 : i1 to i32
      %cond3A_226 = arith.constant 0 : i32
      %cond3A_227 = arith.cmpi ne, %convert_element_type3A_225, %cond3A_226 : i32
      scf.if %cond3A_227 {
        %sub3A = arith.constant 2 : i32
        %sub3A_277 = arith.subi %add3A_222, %sub3A : i32
        %mul3A_278 = arith.constant 80 : i32
        %mul3A_279 = arith.muli %sub3A_277, %mul3A_278 : i32
        %add3A_280 = arith.addi %mul3A_2, %mul3A_279 : i32
        %dma_wait3A_281 = arith.constant 0 : i32
        %dma_wait3A_282 = tpu.memref_slice %arg4[%add3A_280, %dma_wait3A_281] : memref<204800x128xf32, #tpu.memory_space<hbm>> -> memref<80x128xf32, #tpu.memory_space<hbm>>
        %dma_wait3A_283 = arith.constant 0 : i32
        %dma_wait3A_284 = tpu.memref_slice %arg4[%add3A_280, %dma_wait3A_283] : memref<204800x128xf32, #tpu.memory_space<hbm>> -> memref<80x128xf32, #tpu.memory_space<hbm>>
        tpu.wait_dma2 semaphore(%arg26 : memref<!tpu.dma_semaphore, #tpu.memory_space<semaphore_mem>>) src(%arg10 : memref<80x128xf32, #tpu.memory_space<vmem>>) dst(%dma_wait3A_284 : memref<80x128xf32, #tpu.memory_space<hbm>>)
      } else {
      }
      %add3A_228 = arith.constant 6 : i32
      %add3A_229 = arith.addi %add3A_222, %add3A_228 : i32
      %lt3A_230 = arith.constant 80 : i32
      %lt3A_231 = arith.cmpi slt, %add3A_229, %lt3A_230 : i32
      %convert_element_type3A_232 = arith.extui %lt3A_231 : i1 to i32
      %cond3A_233 = arith.constant 0 : i32
      %cond3A_234 = arith.cmpi ne, %convert_element_type3A_232, %cond3A_233 : i32
      scf.if %cond3A_234 {
        %add3A_277 = arith.constant 6 : i32
        %add3A_278 = arith.addi %add3A_222, %add3A_277 : i32
        %mul3A_279 = arith.constant 80 : i32
        %mul3A_280 = arith.muli %add3A_278, %mul3A_279 : i32
        %dma_start3A_281 = tpu.memref_slice %arg5[%mul3A_280] : memref<6400xi32, #tpu.memory_space<vmem>> -> memref<80xi32, #tpu.memory_space<vmem>>
        %dma_start3A_282 = arith.constant 0 : i32
        %dma_start3A_283 = arith.constant 0 : i32
        %dma_start3A_284 = tpu.memref_slice %arg3[%dma_start3A_282, %dma_start3A_283] : memref<100000x128xf32, #tpu.memory_space<hbm>> -> memref<100000x128xf32, #tpu.memory_space<hbm>>
        tpu.enqueue_indirect_dma source(%dma_start3A_284 : memref<100000x128xf32, #tpu.memory_space<hbm>>) target(%arg10 : memref<80x128xf32, #tpu.memory_space<vmem>>) offsets(%dma_start3A_281 : memref<80xi32, #tpu.memory_space<vmem>>) semaphore(%arg18 : memref<!tpu.dma_semaphore, #tpu.memory_space<semaphore_mem>>)
      } else {
      }
      %mul3A_235 = arith.constant 80 : i32
      %mul3A_236 = arith.muli %add3A_222, %mul3A_235 : i32
      %dma_wait3A_237 = tpu.memref_slice %arg5[%mul3A_236] : memref<6400xi32, #tpu.memory_space<vmem>> -> memref<80xi32, #tpu.memory_space<vmem>>
      %dma_wait3A_238 = arith.constant 0 : i32
      %dma_wait3A_239 = arith.constant 0 : i32
      %dma_wait3A_240 = tpu.memref_slice %arg3[%dma_wait3A_238, %dma_wait3A_239] : memref<100000x128xf32, #tpu.memory_space<hbm>> -> memref<100000x128xf32, #tpu.memory_space<hbm>>
      tpu.wait_indirect_dma semaphore(%arg20 : memref<!tpu.dma_semaphore, #tpu.memory_space<semaphore_mem>>) src(%dma_wait3A_240 : memref<100000x128xf32, #tpu.memory_space<hbm>>) dst(%arg12 : memref<80x128xf32, #tpu.memory_space<vmem>>)
      %mul3A_241 = arith.constant 80 : i32
      %mul3A_242 = arith.muli %add3A_222, %mul3A_241 : i32
      %add3A_243 = arith.addi %mul3A_2, %mul3A_242 : i32
      %dma_start3A_244 = arith.constant 0 : i32
      %dma_start3A_245 = tpu.memref_slice %arg4[%add3A_243, %dma_start3A_244] : memref<204800x128xf32, #tpu.memory_space<hbm>> -> memref<80x128xf32, #tpu.memory_space<hbm>>
      %dma_start3A_246 = arith.constant 0 : i32
      %dma_start3A_247 = tpu.memref_slice %arg4[%add3A_243, %dma_start3A_246] : memref<204800x128xf32, #tpu.memory_space<hbm>> -> memref<80x128xf32, #tpu.memory_space<hbm>>
      tpu.enqueue_dma source(%arg12 : memref<80x128xf32, #tpu.memory_space<vmem>>) target(%dma_start3A_247 : memref<80x128xf32, #tpu.memory_space<hbm>>) target_semaphore(%arg28 : memref<!tpu.dma_semaphore, #tpu.memory_space<semaphore_mem>>)
      %mul3A_248 = arith.constant 8 : i32
      %mul3A_249 = arith.muli %scan3A_48, %mul3A_248 : i32
      %add3A_250 = arith.constant 7 : i32
      %add3A_251 = arith.addi %mul3A_249, %add3A_250 : i32
      %ge3A_252 = arith.constant 2 : i32
      %ge3A_253 = arith.cmpi sge, %add3A_251, %ge3A_252 : i32
      %convert_element_type3A_254 = arith.extui %ge3A_253 : i1 to i32
      %cond3A_255 = arith.constant 0 : i32
      %cond3A_256 = arith.cmpi ne, %convert_element_type3A_254, %cond3A_255 : i32
      scf.if %cond3A_256 {
        %sub3A = arith.constant 2 : i32
        %sub3A_277 = arith.subi %add3A_251, %sub3A : i32
        %mul3A_278 = arith.constant 80 : i32
        %mul3A_279 = arith.muli %sub3A_277, %mul3A_278 : i32
        %add3A_280 = arith.addi %mul3A_2, %mul3A_279 : i32
        %dma_wait3A_281 = arith.constant 0 : i32
        %dma_wait3A_282 = tpu.memref_slice %arg4[%add3A_280, %dma_wait3A_281] : memref<204800x128xf32, #tpu.memory_space<hbm>> -> memref<80x128xf32, #tpu.memory_space<hbm>>
        %dma_wait3A_283 = arith.constant 0 : i32
        %dma_wait3A_284 = tpu.memref_slice %arg4[%add3A_280, %dma_wait3A_283] : memref<204800x128xf32, #tpu.memory_space<hbm>> -> memref<80x128xf32, #tpu.memory_space<hbm>>
        tpu.wait_dma2 semaphore(%arg27 : memref<!tpu.dma_semaphore, #tpu.memory_space<semaphore_mem>>) src(%arg11 : memref<80x128xf32, #tpu.memory_space<vmem>>) dst(%dma_wait3A_284 : memref<80x128xf32, #tpu.memory_space<hbm>>)
      } else {
      }
      %add3A_257 = arith.constant 6 : i32
      %add3A_258 = arith.addi %add3A_251, %add3A_257 : i32
      %lt3A_259 = arith.constant 80 : i32
      %lt3A_260 = arith.cmpi slt, %add3A_258, %lt3A_259 : i32
      %convert_element_type3A_261 = arith.extui %lt3A_260 : i1 to i32
      %cond3A_262 = arith.constant 0 : i32
      %cond3A_263 = arith.cmpi ne, %convert_element_type3A_261, %cond3A_262 : i32
      scf.if %cond3A_263 {
        %add3A_277 = arith.constant 6 : i32
        %add3A_278 = arith.addi %add3A_251, %add3A_277 : i32
        %mul3A_279 = arith.constant 80 : i32
        %mul3A_280 = arith.muli %add3A_278, %mul3A_279 : i32
        %dma_start3A_281 = tpu.memref_slice %arg5[%mul3A_280] : memref<6400xi32, #tpu.memory_space<vmem>> -> memref<80xi32, #tpu.memory_space<vmem>>
        %dma_start3A_282 = arith.constant 0 : i32
        %dma_start3A_283 = arith.constant 0 : i32
        %dma_start3A_284 = tpu.memref_slice %arg3[%dma_start3A_282, %dma_start3A_283] : memref<100000x128xf32, #tpu.memory_space<hbm>> -> memref<100000x128xf32, #tpu.memory_space<hbm>>
        tpu.enqueue_indirect_dma source(%dma_start3A_284 : memref<100000x128xf32, #tpu.memory_space<hbm>>) target(%arg11 : memref<80x128xf32, #tpu.memory_space<vmem>>) offsets(%dma_start3A_281 : memref<80xi32, #tpu.memory_space<vmem>>) semaphore(%arg19 : memref<!tpu.dma_semaphore, #tpu.memory_space<semaphore_mem>>)
      } else {
      }
      %mul3A_264 = arith.constant 80 : i32
      %mul3A_265 = arith.muli %add3A_251, %mul3A_264 : i32
      %dma_wait3A_266 = tpu.memref_slice %arg5[%mul3A_265] : memref<6400xi32, #tpu.memory_space<vmem>> -> memref<80xi32, #tpu.memory_space<vmem>>
      %dma_wait3A_267 = arith.constant 0 : i32
      %dma_wait3A_268 = arith.constant 0 : i32
      %dma_wait3A_269 = tpu.memref_slice %arg3[%dma_wait3A_267, %dma_wait3A_268] : memref<100000x128xf32, #tpu.memory_space<hbm>> -> memref<100000x128xf32, #tpu.memory_space<hbm>>
      tpu.wait_indirect_dma semaphore(%arg21 : memref<!tpu.dma_semaphore, #tpu.memory_space<semaphore_mem>>) src(%dma_wait3A_269 : memref<100000x128xf32, #tpu.memory_space<hbm>>) dst(%arg13 : memref<80x128xf32, #tpu.memory_space<vmem>>)
      %mul3A_270 = arith.constant 80 : i32
      %mul3A_271 = arith.muli %add3A_251, %mul3A_270 : i32
      %add3A_272 = arith.addi %mul3A_2, %mul3A_271 : i32
      %dma_start3A_273 = arith.constant 0 : i32
      %dma_start3A_274 = tpu.memref_slice %arg4[%add3A_272, %dma_start3A_273] : memref<204800x128xf32, #tpu.memory_space<hbm>> -> memref<80x128xf32, #tpu.memory_space<hbm>>
      %dma_start3A_275 = arith.constant 0 : i32
      %dma_start3A_276 = tpu.memref_slice %arg4[%add3A_272, %dma_start3A_275] : memref<204800x128xf32, #tpu.memory_space<hbm>> -> memref<80x128xf32, #tpu.memory_space<hbm>>
      tpu.enqueue_dma source(%arg13 : memref<80x128xf32, #tpu.memory_space<vmem>>) target(%dma_start3A_276 : memref<80x128xf32, #tpu.memory_space<hbm>>) target_semaphore(%arg29 : memref<!tpu.dma_semaphore, #tpu.memory_space<semaphore_mem>>)
    }
    %scan3A_36 = arith.constant 10 : i32
    %add3A_37 = arith.constant 6240 : i32
    %add3A_38 = arith.addi %mul3A_2, %add3A_37 : i32
    %dma_wait3A = arith.constant 0 : i32
    %dma_wait3A_39 = tpu.memref_slice %arg4[%add3A_38, %dma_wait3A] : memref<204800x128xf32, #tpu.memory_space<hbm>> -> memref<80x128xf32, #tpu.memory_space<hbm>>
    %dma_wait3A_40 = arith.constant 0 : i32
    %dma_wait3A_41 = tpu.memref_slice %arg4[%add3A_38, %dma_wait3A_40] : memref<204800x128xf32, #tpu.memory_space<hbm>> -> memref<80x128xf32, #tpu.memory_space<hbm>>
    tpu.wait_dma2 semaphore(%arg28 : memref<!tpu.dma_semaphore, #tpu.memory_space<semaphore_mem>>) src(%arg12 : memref<80x128xf32, #tpu.memory_space<vmem>>) dst(%dma_wait3A_41 : memref<80x128xf32, #tpu.memory_space<hbm>>)
    %add3A_42 = arith.constant 6320 : i32
    %add3A_43 = arith.addi %mul3A_2, %add3A_42 : i32
    %dma_wait3A_44 = arith.constant 0 : i32
    %dma_wait3A_45 = tpu.memref_slice %arg4[%add3A_43, %dma_wait3A_44] : memref<204800x128xf32, #tpu.memory_space<hbm>> -> memref<80x128xf32, #tpu.memory_space<hbm>>
    %dma_wait3A_46 = arith.constant 0 : i32
    %dma_wait3A_47 = tpu.memref_slice %arg4[%add3A_43, %dma_wait3A_46] : memref<204800x128xf32, #tpu.memory_space<hbm>> -> memref<80x128xf32, #tpu.memory_space<hbm>>
    tpu.wait_dma2 semaphore(%arg29 : memref<!tpu.dma_semaphore, #tpu.memory_space<semaphore_mem>>) src(%arg13 : memref<80x128xf32, #tpu.memory_space<vmem>>) dst(%dma_wait3A_47 : memref<80x128xf32, #tpu.memory_space<hbm>>)
    return
  }
}

</mosaic_0001>

<sc_bundles>
// kernel: kernel.3.cloned.1.call-start
scs
__scs_entry_jumppad:
0x0: {  	(pc) =	sbr.rel $0x88, $3  }
0x1: {  	(tag) =	ssettag $0x0;
	lr =	simm.s32 $0x1  }
0x2: {  	[smem:$0x3F9F] =	sst lr;
	_ =	strace $0xD0000000  }
0x3: {  	_ = 	snop  }
0x4: {  	_ = 	snop  }
0x5: {  	_ = 	snop  }
0x6: {  	_ = 	snop  }
0x7: {  	_ = 	snop  }
__scs_overlays_trampoline_lowered:
0x8: {  	[smem:$0x3FAE] =	sst s0  }
0x9: {  	[smem:$0x3FAF] =	sst s1  }
0xa: {  	[smem:$0x3FB0] =	sst s2  }
0xb: {  	[smem:$0x3FB1] =	sst s3  }
0xc: {  	[smem:$0x3FB2] =	sst s4  }
0xd: {  	[smem:$0x3FB3] =	sst s5  }
0xe: {  	[smem:$0x3FB4] =	sst s6  }
0xf: {  	[smem:$0x3FB5] =	sst s7  }
0x10: {  	[smem:$0x3FB6] =	sst s8  }
0x11: {  	[smem:$0x3FB7] =	sst s9;
	s0 =	simm.s32 @!p0 $0x0  }
0x12: {  	s1 =	sld [smem:$0x3F9D];
	s0 =	simm.s32 @p0 $0x1  }
0x13: {  	[smem:$0x3FB8] =	sst s0;
	s0 =	simm.s32 @!p1 $0x0  }
0x14: {  	s2 =	sld [smem:$0x3F9C];
	s0 =	simm.s32 @p1 $0x1  }
0x15: {  	[smem:$0x3FB9] =	sst s0;
	s0 =	simm.s32 @!p2 $0x0  }
0x16: {  	s3 =	sld [smem:$0x3FDB];
	s0 =	simm.s32 @p2 $0x1  }
0x17: {  	s4 =	simm.s32 $0x1BF5;
	[smem:$0x3FBB] =	sst s0  }
0x18: {  	s0 =	sld [smem:$0x3F9E];
	_ =	swait.ge [sflag:s4], $0x0  }
0x19: {  	s7 =	sld [smem:$0x3F9F]  }
0x1a: {  	s8 =	sadd.s32 $0xFFFFE003, lr  }
0x1b: {  	s9 =	sadd.s32 $0xFFFFFEF7, lr;
	s5 =	simm.s32 $0xFFFFFFFF;
	p2 =	slt.u32 s8, $0xFFFFF086  }
0x1c: {  	p1 =	slt.u32 s9, $0xF7A;
	s5 =	simm.s32 @!p2 $0x0  }
0x1d: {  	s5 =	simm.s32 @p1 $0x1;
	p0 =	seq.s32 s7, s2  }
0x1e: {  	s7 =	smul.u32 @!p0 $0xF7A, s2;
	p2 =	seq.s32 @!p0 s5, $0x0  }
0x1f: {  	s9 =	smul.u32 $0xF7A, s1;
	s8 =	simm.s32 @!p0 $0x1BF5;
	p2 =	por !p2, p0  }
0x20: {  	[sflag:s8] =	ssyncset.s32 @!p0 $0xFFFFF086;
	s6 =	sadd.s32 @!p0 s3, s7;
	s7 =	simm.s32 @!p0 $0x108  }
0x21: {  	s3 =	sadd.s32 s3, s9;
	s6 =	sadd.s32 @!p0 $0x88, s6;
	s7 =	simm.s32 @p2 $0x1082  }
0x22: {  	[simem:s7], [sflag:s8] =	dma.local @!p0 [hbm:s6], $0xF7A  }
0x23: {  	s9 =	sor.u32 $0xD0000000, s2;
	s6 =	simm.s32 $0x108;
	_ =	swait.ge @!p0 [sflag:s8], $0x0  }
0x24: {  	s3 =	sadd.s32 $0x88, s3;
	s6 =	simm.s32 @!p1 $0x1082;
	[sflag:s4] =	ssyncset.s32 $0xFFFFF086  }
0x25: {  	[simem:s6], [sflag:s4] =	dma.local [hbm:s3], $0xF7A  }
0x26: {  	[smem:$0x3F9F] =	sst s1;
	(tag) =	ssettag s2;
	_ =	strace s9  }
0x27: {  	s1 =	sld [smem:$0x3FAF]  }
0x28: {  	s2 =	sld [smem:$0x3FB0]  }
0x29: {  	s4 =	sld [smem:$0x3FB2]  }
0x2a: {  	p0 =	seq.s32 s5, $0x0;
	s5 =	sld [smem:$0x3FB3]  }
0x2b: {  	s6 =	sld [smem:$0x3FB4]  }
0x2c: {  	s7 =	sld [smem:$0x3FB5]  }
0x2d: {  	s3 =	simm.s32 $0x108;
	s8 =	sld [smem:$0x3FB6]  }
0x2e: {  	s3 =	simm.s32 @!p0 $0x1082;
	s9 =	sld [smem:$0x3FB7]  }
0x2f: {  	lr =	sadd.s32 s0, s3;
	s0 =	sld [smem:$0x3FAE]  }
0x30: {  	s3 =	sld [smem:$0x3FB1]  }
0x31: {  	[smem:$0x3FBA] =	sst s10  }
0x32: {  	s10 =	sld [smem:$0x3FB8];
	_ =	sdelay $0x3  }
0x33: {  	p0 =	seq.s32 s10, $0x1;
	s10 =	sld [smem:$0x3FBA];
	_ =	sdelay $0x3  }
0x34: {  	[smem:$0x3FBA] =	sst s10  }
0x35: {  	s10 =	sld [smem:$0x3FB9];
	_ =	sdelay $0x3  }
0x36: {  	p1 =	seq.s32 s10, $0x1;
	s10 =	sld [smem:$0x3FBA];
	_ =	sdelay $0x3  }
0x37: {  	[smem:$0x3FBA] =	sst s10  }
0x38: {  	s10 =	sld [smem:$0x3FBB]  }
0x39: {  	_ = 	snop;
	(pc) =	sbr.ind lr, $3  }
0x3a: {  	_ = 	snop  }
0x3b: {  	_ = 	snop  }
0x3c: {  	p2 =	seq.s32 s10, $0x1;
	s10 =	sld [smem:$0x3FBA]  }
0x3d: {  	_ =	shalt  }
0x3e: {  	_ =	shalt  }
0x3f: {  	_ =	shalt  }
0x40: {  	_ =	shalt  }
0x41: {  	_ =	shalt  }
0x42: {  	_ =	shalt  }
0x43: {  	_ =	shalt  }
0x44: {  	_ =	shalt  }
0x45: {  	_ =	shalt  }
0x46: {  	_ =	shalt  }
0x47: {  	_ =	shalt  }
0x48: {  	_ =	shalt  }
0x49: {  	_ =	shalt  }
0x4a: {  	_ =	shalt  }
0x4b: {  	_ =	shalt  }
0x4c: {  	_ =	shalt  }
0x4d: {  	_ =	shalt  }
0x4e: {  	_ =	shalt  }
0x4f: {  	_ =	shalt  }
0x50: {  	_ =	shalt  }
0x51: {  	_ =	shalt  }
0x52: {  	_ =	shalt  }
0x53: {  	_ =	shalt  }
0x54: {  	_ =	shalt  }
0x55: {  	_ =	shalt  }
0x56: {  	_ =	shalt  }
0x57: {  	_ =	shalt  }
0x58: {  	_ =	shalt  }
0x59: {  	_ =	shalt  }
0x5a: {  	_ =	shalt  }
0x5b: {  	_ =	shalt  }
0x5c: {  	_ =	shalt  }
0x5d: {  	_ =	shalt  }
0x5e: {  	_ =	shalt  }
0x5f: {  	_ =	shalt  }
0x60: {  	_ =	shalt  }
0x61: {  	_ =	shalt  }
0x62: {  	_ =	shalt  }
0x63: {  	_ =	shalt  }
0x64: {  	_ =	shalt  }
0x65: {  	_ =	shalt  }
0x66: {  	_ =	shalt  }
0x67: {  	_ =	shalt  }
0x68: {  	_ =	shalt  }
0x69: {  	_ =	shalt  }
0x6a: {  	_ =	shalt  }
0x6b: {  	_ =	shalt  }
0x6c: {  	_ =	shalt  }
0x6d: {  	_ =	shalt  }
0x6e: {  	_ =	shalt  }
0x6f: {  	_ =	shalt  }
0x70: {  	_ =	shalt  }
0x71: {  	_ =	shalt  }
0x72: {  	_ =	shalt  }
0x73: {  	_ =	shalt  }
0x74: {  	_ =	shalt  }
0x75: {  	_ =	shalt  }
0x76: {  	_ =	shalt  }
0x77: {  	_ =	shalt  }
0x78: {  	_ =	shalt  }
0x79: {  	_ =	shalt  }
0x7a: {  	_ =	shalt  }
0x7b: {  	_ =	shalt  }
0x7c: {  	_ =	shalt  }
0x7d: {  	_ =	shalt  }
0x7e: {  	_ =	shalt  }
0x7f: {  	_ =	shalt  }
0x80: {  	_ =	shalt  }
0x81: {  	_ =	shalt  }
0x82: {  	_ =	shalt  }
0x83: {  	_ =	shalt  }
0x84: {  	_ =	shalt  }
0x85: {  	_ =	shalt  }
0x86: {  	_ =	shalt  }
0x87: {  	_ =	shalt  }
.Lfunc_end0:
.L_simem_size_0:
called_computation_lowered:
.L_overlay_start_0:
0x88: {  	s2 =	sld [smem:$0x3FD9]  }
0x89: {  	s3 =	sld [smem:$0x3FFE];
	_ =	sdelay $0x1  }
0x8a: {  	s1 =	srdreg.scid  }
0x8b: {  	s0 =	sand.u32 $0x1, s1  }
0x8c: {  	s17 =	sshll.u32 s0, $0xA;
	s2 =	sadd.s32 s3, s2  }
0x8d: {  	s2 =	sadd.s32 s2, s17  }
0x8e: {  	[smem:$0x3FC6] =	sst s2  }
0x8f: {  	_ = 	snop  }
0x90: {  	s2 =	sld [smem:$0x3FC8]  }
0x91: {  	s18 =	sld [smem:$0x3FD0];
	(tm) =	ssettm $0x1  }
0x92: {  	s4 =	sld [smem:$0x3FFB];
	_ =	sdelay $0x3  }
0x93: {  	_ =	strace s4  }
0x94: {  	s4 =	sld [smem:$0x3FFC];
	_ =	sdelay $0x3  }
0x95: {  	_ =	strace s4  }
0x96: {  	s4 =	sld [smem:$0x3FFD];
	_ =	sdelay $0x3  }
0x97: {  	_ =	strace s4  }
0x98: {  	_ =	strace $0x8FFFFFFF  }
0x99: {  	s19 =	sld [smem:$0x3FDB];
	_ =	sdelay $0x1  }
0x9a: {  	s5 =	simm.s32 $_scs_section_size  }
0x9b: {  	s6 =	simm.s32 $_size__tile_overlayer_lowered;
	s7 =	simm.s32 $_tile_overlayer_lowered  }
0x9c: {  	s22 =	simm.s32 $0x1BFF;
	s21 =	sshll.u32 s7, $0x1;
	s4 =	sadd.s32 s5, s19  }
0x9d: {  	s8 =	simm.s32 $0x0;
	s20 =	sshll.u32 s6, $0x1;
	s6 =	sadd.s32 s21, s4  }
0x9e: {  	[timem:s8], [sflag:s22] =	dma.local [hbm:s6], s20  }
0x9f: {  	_ =	swait.ge [sflag:s22], s20  }
0xa0: {  	s5 =	ssub.s32 $0x0, s20;
	[sflag:s22] =	ssyncset.done $0x0  }
0xa1: {  	[sflag:s22] =	ssyncadd.s32 s5;
	_ =	sdelay $0x1  }
0xa2: {  	s23 =	simm.s32 $0x1B8B  }
0xa3: {  	_ =	swait.ge [sflag:s23], $0x1  }
0xa4: {  	[sflag:s23] =	ssyncset.done $0x0  }
0xa5: {  	s25 =	simm.s32 $0x1B8E;
	s24 =	sld [smem:$0x3FFE];
	[sflag:s23] =	ssyncadd.s32 $0xFFFFFFFF  }
0xa6: {  	s26 =	simm.s32 $execute0_lowered;
	[smem:$0x3FD2] =	sst s25  }
0xa7: {  	s6 =	sshll.u32 s26, $0x1;
	_ =	strace $0x80000046;
	[dreg:$0x1] =	wrdreg $0xFFFFFFFF  }
0xa8: {  	s28 =	simm.s32 $_size_execute0_lowered;
	s4 =	sadd.s32 s4, s6;
	[dreg:$0x0] =	wrdreg $0x0  }
0xa9: {  	s6 =	sshll.u32 s28, $0x1;
	[dreg:$0x2] =	wrdreg s4  }
0xaa: {  	[dreg:$0x3] =	wrdreg s6  }
0xab: {  	[dreg:$0x4] =	wrdreg $0xC0  }
0xac: {  	_ =	task [dreg:s8], $0x5FFFF  }
0xad: {  	[dreg:$0x1] =	wrdreg $0xFFFFFFFF  }
0xae: {  	[dreg:$0x0] =	wrdreg $0x60  }
0xaf: {  	[dreg:$0x2] =	wrdreg s24  }
0xb0: {  	[dreg:$0x3] =	wrdreg s2  }
0xb1: {  	[dreg:$0x4] =	wrdreg s18  }
0xb2: {  	[dreg:$0x5] =	wrdreg $0x9  }
0xb3: {  	_ =	task.clear_ibuf [dreg:s8], $0x6FFFF;
	_ =	strace $0x90000046  }
0xb4: {  	s29 =	simm.s32 $0x9;
	_ =	strace $0x80000048  }
0xb5: {  	_ =	swait.ge [sflag:s29], $0x1  }
0xb6: {  	[sflag:s29] =	ssyncadd.s32 $0xFFFFFFFF  }
0xb7: {  	_ =	strace $0x90000048  }
0xb8: {  	_ =	sfence  }
0xb9: {  	s30 =	sld [smem:$0x0];
	_ =	sdelay $0x2  }
0xba: {  	s31 =	sshll.u32 s1, $0xD;
	s1 =	sshrl.u32 s1, $0x2  }
0xbb: {  	s3 =	sand.u32 $0x4000, s31;
	s1 =	sadd.s32 s1, s30  }
0xbc: {  	s0 =	sor.u32 s3, s0;
	s1 =	sshll.u32 s1, $0x11  }
0xbd: {  	s0 =	sor.u32 s1, s0  }
0xbe: {  	s0 =	sadd.s32 $0x8F2B, s0  }
0xbf: {  	[sflag:s0] =	ssyncadd.remote.s32 $0x1  }
0xc0: {  	_ =	sfence.sel $0xFFFF  }
0xc1: {  	[dreg:$0x0] =	wrdreg $0xFFFFFFFF;
	(pc) =	sbr.abs _section_cstart, $3  }
0xc2: {  	[dreg:$0x1] =	wrdreg $0xFFFFFFFF  }
0xc3: {  	_ =	task.clear_ibuf [dreg:s8], $0x2FFFF;
	_ =	strace $0x9FFFFFFF  }
0xc4: {  	(tm) =	ssettm $0x7FFFFFFF  }
0xc5: {  	_ =	shalt  }
tec
execute0_lowered:
.L_overlay_start_1:
0x0: {  	(tag) =	ssettag $0x1  }
0x1: {  	s0 =	rddreg [dreg:$0x0]  }
0x2: {  	s2 =	rddreg [dreg:$0x1];
	s1 =	srdreg.scid  }
0x3: {  	s6 =	stileid.u32;
	s4 =	rddreg [dreg:$0x2];
	s3 =	simm.s32 $0x0  }
0x4: {  	s8 =	simm.s32 $0x50;
	s19 =	simm.s32 $0x10900;
	s20 =	simm.s32 $0x1  }
0x5: {  	s21 =	simm.s32 $0x13100;
	s22 =	simm.s32 $0x2;
	s23 =	simm.s32 $0x9  }
0x6: {  	s28 =	simm.s32 $0xB;
	s29 =	simm.s32 $0x5;
	s30 =	simm.s32 $0xC  }
0x7: {  	s31 =	simm.s32 $0x6;
	s1 =	sand.u32 $0x1, s1;
	s5 =	sshll.u32 s6, $0x1  }
0x8: {  	s11 =	simm.s32 $0xE;
	s6 =	smul.u32 $0x32000, s6;
	s5 =	sor.u32 s1, s5  }
0x9: {  	s13 =	simm.s32 $0x8;
	[smem:$0x7FF] =	sst s3;
	s5 =	smul.u32 $0x1900, s5  }
0xa: {  	_ =	strace $0x80000047;
	s7 =	ssub.s32 $0x2, s1;
	s1 =	smul.u32 $0x19000, s1  }
0xb: {  	s24 =	sshrl.u32 s7, $0x1;
	s4 =	sadd.s32 s6, s4;
	s5 =	sshrl.u32 s5, $0x3  }
0xc: {  	s6 =	simm.s32 $0x0;
	s25 =	sadd.s32 s1, s4;
	s0 =	sadd.s32 s5, s0  }
0xd: {  	s1 =	simm.s32 $0xD;
	s5 =	ssub.s32 s7, s24;
	s0 =	sadd.s32 $0x400, s0  }
0xe: {  	s24 =	simm.s32 $0x3;
	s26 =	smax.u32 s5, $0x1;
	[dreg:$0x4] =	wrdreg s0  }
0xf: {  	[dreg:$0x5] =	wrdreg s26;
	s0 =	sadd.s32 $0x1400, s25;
	s25 =	simm.s32 $0xA  }
0x10: {  	s26 =	simm.s32 $0x4;
	[dreg:$0x6] =	wrdreg s0;
	s0 =	simm.s32 $0x7  }
.LBB2_1:
0x11: {  	[dreg:$0x7] =	wrdreg s6  }
0x12: {  	s4 =	rddreg [dreg:$0x4];
	s10 =	simm.s32 $0x11  }
0x13: {  	[tilespmem:s3], [sflag:$0x11] =	stream.linear.gather [hbm4b:s4+s3], $0x1900, $0x38;
	[tilespmem:$0x15900] =	vst v63  }
0x14: {  	_ =	swait.ge [sflag:s10], $0x1900  }
0x15: {  	[sflag:s10] =	ssyncset.done $0x0  }
0x16: {  	s6 =	simm.s32 $0x1900;
	[sflag:s10] =	ssyncadd.s32 $0xFFFFE700  }
0x17: {  	[tilespmem:s6], [sflag:$0x1] =	stream.indirect.gather [hbm4b:s2+s8], $0x80, s3, s8, $0xb8;
	[tilespmem:$0x15900] =	vst v63  }
0x18: {  	s7 =	simm.s32 $0x4100  }
0x19: {  	[tilespmem:s7], [sflag:$0x2] =	stream.indirect.gather [hbm4b:s2+s8], $0x80, s8, s8, $0xb8;
	[tilespmem:$0x15900] =	vst v63  }
0x1a: {  	s12 =	simm.s32 $0xA0;
	s10 =	simm.s32 $0x6900  }
0x1b: {  	[tilespmem:s10], [sflag:$0x3] =	stream.indirect.gather [hbm4b:s2+s8], $0x80, s12, s8, $0xb8;
	[tilespmem:$0x15900] =	vst v63  }
0x1c: {  	s14 =	simm.s32 $0xF0;
	s12 =	simm.s32 $0x9100  }
0x1d: {  	[tilespmem:s12], [sflag:$0x4] =	stream.indirect.gather [hbm4b:s2+s8], $0x80, s14, s8, $0xb8;
	[tilespmem:$0x15900] =	vst v63  }
0x1e: {  	s15 =	simm.s32 $0x140;
	p0 =	por $0x1, $0x1;
	s14 =	simm.s32 $0xB900  }
0x1f: {  	[tilespmem:s14], [sflag:$0x5] =	stream.indirect.gather [hbm4b:s2+s8], $0x80, s15, s8, $0xb8;
	[tilespmem:$0x15900] =	vst v63  }
0x20: {  	s16 =	simm.s32 $0x190;
	s4 =	simm.s32 @!p0 $0xF;
	s15 =	simm.s32 $0xE100  }
0x21: {  	[tilespmem:s15], [sflag:$0x6] =	stream.indirect.gather [hbm4b:s2+s8], $0x80, s16, s8, $0xb8;
	[tilespmem:$0x15900] =	vst v63  }
0x22: {  	_ =	swait.ge @!p0 [sflag:s4], $0x2800  }
0x23: {  	[sflag:s4] =	ssyncset.done @!p0 $0x0  }
0x24: {  	s17 =	simm.s32 $0x1E0;
	[sflag:s4] =	ssyncadd.s32 @!p0 $0xFFFFD800  }
0x25: {  	[tilespmem:s19], [sflag:$0x7] =	stream.indirect.gather [hbm4b:s2+s8], $0x80, s17, s8, $0xb8;
	[tilespmem:$0x15900] =	vst v63  }
0x26: {  	_ =	swait.ge [sflag:s20], $0x2800  }
0x27: {  	[sflag:s20] =	ssyncset.done $0x0;
	s9 =	rddreg [dreg:$0x6]  }
0x28: {  	s5 =	simm.s32 @!p0 $0x10;
	[sflag:s20] =	ssyncadd.s32 $0xFFFFD800;
	s18 =	sadd.s32 $0xFFFFEC00, s9  }
0x29: {  	[hbm4b:s18+s3] =	stream.linear.scatter [tilespmem:s6], [sflag:$0x9], $0x2800, $0x38;
	[tilespmem:$0x15900] =	vst v63  }
0x2a: {  	_ =	swait.ge @!p0 [sflag:s5], $0x2800  }
0x2b: {  	[sflag:s5] =	ssyncset.done @!p0 $0x0  }
0x2c: {  	[sflag:s5] =	ssyncadd.s32 @!p0 $0xFFFFD800;
	s5 =	simm.s32 $0x230  }
0x2d: {  	[tilespmem:s21], [sflag:$0x8] =	stream.indirect.gather [hbm4b:s2+s8], $0x80, s5, s8, $0xb8;
	[tilespmem:$0x15900] =	vst v63  }
0x2e: {  	_ =	swait.ge [sflag:s22], $0x2800  }
0x2f: {  	[sflag:s22] =	ssyncset.done $0x0  }
0x30: {  	s6 =	sadd.s32 $0xFFFFF100, s9;
	[sflag:s22] =	ssyncadd.s32 $0xFFFFD800  }
0x31: {  	[hbm4b:s6+s3] =	stream.linear.scatter [tilespmem:s7], [sflag:$0xA], $0x2800, $0x38;
	[tilespmem:$0x15900] =	vst v63  }
0x32: {  	p0 =	por $0x0, $0x0;
	_ =	swait.ge [sflag:s23], $0x2800  }
0x33: {  	s4 =	simm.s32 @!p0 $0x1900;
	[sflag:s23] =	ssyncset.done $0x0  }
0x34: {  	s5 =	simm.s32 @!p0 $0x280;
	s6 =	simm.s32 @!p0 $0x50;
	[sflag:s23] =	ssyncadd.s32 $0xFFFFD800  }
0x35: {  	[tilespmem:s4], [sflag:$0x1] =	stream.indirect.gather @!p0 [hbm4b:s2+s6], $0x80, s5, s6, $0xb8;
	[tilespmem:$0x15900] =	vst v63  }
0x36: {  	_ =	swait.ge [sflag:s24], $0x2800  }
0x37: {  	[sflag:s24] =	ssyncset.done $0x0  }
0x38: {  	s7 =	sadd.s32 $0xFFFFF600, s9;
	[sflag:s24] =	ssyncadd.s32 $0xFFFFD800  }
0x39: {  	[hbm4b:s7+s3] =	stream.linear.scatter [tilespmem:s10], [sflag:$0xB], $0x2800, $0x38;
	[tilespmem:$0x15900] =	vst v63  }
0x3a: {  	_ =	swait.ge [sflag:s25], $0x2800  }
0x3b: {  	[sflag:s25] =	ssyncset.done $0x0  }
0x3c: {  	s4 =	simm.s32 @!p0 $0x2D0;
	s5 =	simm.s32 @!p0 $0x4100;
	[sflag:s25] =	ssyncadd.s32 $0xFFFFD800  }
0x3d: {  	[tilespmem:s5], [sflag:$0x2] =	stream.indirect.gather @!p0 [hbm4b:s2+s6], $0x80, s4, s6, $0xb8;
	[tilespmem:$0x15900] =	vst v63  }
0x3e: {  	_ =	swait.ge [sflag:s26], $0x2800  }
0x3f: {  	[sflag:s26] =	ssyncset.done $0x0  }
0x40: {  	s16 =	sadd.s32 $0xFFFFFB00, s9;
	[sflag:s26] =	ssyncadd.s32 $0xFFFFD800  }
0x41: {  	[hbm4b:s16+s3] =	stream.linear.scatter [tilespmem:s12], [sflag:$0xC], $0x2800, $0x38;
	[tilespmem:$0x15900] =	vst v63  }
0x42: {  	_ =	swait.ge [sflag:s28], $0x2800  }
0x43: {  	[sflag:s28] =	ssyncset.done $0x0  }
0x44: {  	s4 =	simm.s32 @!p0 $0x320;
	s5 =	simm.s32 @!p0 $0x6900;
	[sflag:s28] =	ssyncadd.s32 $0xFFFFD800  }
0x45: {  	[tilespmem:s5], [sflag:$0x3] =	stream.indirect.gather @!p0 [hbm4b:s2+s6], $0x80, s4, s6, $0xb8;
	[tilespmem:$0x15900] =	vst v63  }
0x46: {  	_ =	swait.ge [sflag:s29], $0x2800  }
0x47: {  	[sflag:s29] =	ssyncset.done $0x0  }
0x48: {  	[sflag:s29] =	ssyncadd.s32 $0xFFFFD800  }
0x49: {  	[hbm4b:s9+s3] =	stream.linear.scatter [tilespmem:s14], [sflag:$0xD], $0x2800, $0x38;
	[tilespmem:$0x15900] =	vst v63  }
0x4a: {  	_ =	swait.ge [sflag:s30], $0x2800  }
0x4b: {  	[sflag:s30] =	ssyncset.done $0x0  }
0x4c: {  	s4 =	simm.s32 @!p0 $0x370;
	s5 =	simm.s32 @!p0 $0x9100;
	[sflag:s30] =	ssyncadd.s32 $0xFFFFD800  }
0x4d: {  	[tilespmem:s5], [sflag:$0x4] =	stream.indirect.gather @!p0 [hbm4b:s2+s6], $0x80, s4, s6, $0xb8;
	[tilespmem:$0x15900] =	vst v63  }
0x4e: {  	_ =	swait.ge [sflag:s31], $0x2800  }
0x4f: {  	[sflag:s31] =	ssyncset.done $0x0  }
0x50: {  	s17 =	sadd.s32 $0x500, s9;
	[sflag:s31] =	ssyncadd.s32 $0xFFFFD800  }
0x51: {  	[hbm4b:s17+s3] =	stream.linear.scatter [tilespmem:s15], [sflag:$0xE], $0x2800, $0x38;
	[tilespmem:$0x15900] =	vst v63  }
0x52: {  	_ =	swait.ge [sflag:s1], $0x2800  }
0x53: {  	[sflag:s1] =	ssyncset.done $0x0  }
0x54: {  	s4 =	simm.s32 @!p0 $0x3C0;
	s5 =	simm.s32 @!p0 $0xB900;
	[sflag:s1] =	ssyncadd.s32 $0xFFFFD800  }
0x55: {  	[tilespmem:s5], [sflag:$0x5] =	stream.indirect.gather @!p0 [hbm4b:s2+s6], $0x80, s4, s6, $0xb8;
	[tilespmem:$0x15900] =	vst v63  }
0x56: {  	_ =	swait.ge [sflag:s0], $0x2800  }
0x57: {  	[sflag:s0] =	ssyncset.done $0x0  }
0x58: {  	s18 =	sadd.s32 $0xA00, s9;
	[sflag:s0] =	ssyncadd.s32 $0xFFFFD800  }
0x59: {  	[hbm4b:s18+s3] =	stream.linear.scatter [tilespmem:s19], [sflag:$0xF], $0x2800, $0x38;
	[tilespmem:$0x15900] =	vst v63  }
0x5a: {  	_ =	swait.ge [sflag:s11], $0x2800  }
0x5b: {  	p1 =	por $0x0, $0x0;
	[sflag:s11] =	ssyncset.done $0x0  }
0x5c: {  	s4 =	simm.s32 @!p0 $0x410;
	s5 =	simm.s32 @!p0 $0xE100;
	[sflag:s11] =	ssyncadd.s32 $0xFFFFD800  }
0x5d: {  	[tilespmem:s5], [sflag:$0x6] =	stream.indirect.gather @!p0 [hbm4b:s2+s6], $0x80, s4, s6, $0xb8;
	[tilespmem:$0x15900] =	vst v63  }
0x5e: {  	s7 =	simm.s32 $0xA00;
	s15 =	simm.s32 $0x1400;
	_ =	swait.ge [sflag:s13], $0x2800  }
0x5f: {  	s5 =	sadd.s32 $0x2800, s9;
	s4 =	sadd.s32 $0xF00, s9;
	[sflag:s13] =	ssyncset.done $0x0  }
.LBB2_2:
0x60: {  	s6 =	simm.s32 @!p1 $0xF;
	[sflag:s13] =	ssyncadd.s32 $0xFFFFD800  }
0x61: {  	s9 =	smov.u32 s15;
	s15 =	sadd.s32 $0xA00, s15;
	s17 =	smov.u32 s5  }
0x62: {  	[hbm4b:s4+s3] =	stream.linear.scatter [tilespmem:s21], [sflag:$0x10], $0x2800, $0x38;
	[tilespmem:$0x15900] =	vst v63  }
0x63: {  	p0 =	sne.s32 s15, $0x6400;
	_ =	swait.ge @!p1 [sflag:s6], $0x2800  }
0x64: {  	s4 =	sshra.s32 s7, $0x2;
	[sflag:s6] =	ssyncset.done @!p1 $0x0  }
0x65: {  	[sflag:s6] =	ssyncadd.s32 @!p1 $0xFFFFD800;
	s6 =	sadd.s32 $0x1E0, s4  }
0x66: {  	[tilespmem:s19], [sflag:$0x7] =	stream.indirect.gather [hbm4b:s2+s8], $0x80, s6, s8, $0xb8;
	[tilespmem:$0x15900] =	vst v63  }
0x67: {  	_ =	swait.ge [sflag:s20], $0x2800  }
0x68: {  	s10 =	simm.s32 @!p1 $0x10;
	[sflag:s20] =	ssyncset.done $0x0  }
0x69: {  	s12 =	simm.s32 $0x1900;
	s6 =	sadd.s32 $0xFFFFEC00, s5;
	[sflag:s20] =	ssyncadd.s32 $0xFFFFD800  }
0x6a: {  	[hbm4b:s6+s3] =	stream.linear.scatter [tilespmem:s12], [sflag:$0x9], $0x2800, $0x38;
	[tilespmem:$0x15900] =	vst v63  }
0x6b: {  	_ =	swait.ge @!p1 [sflag:s10], $0x2800  }
0x6c: {  	[sflag:s10] =	ssyncset.done @!p1 $0x0  }
0x6d: {  	s4 =	sadd.s32 $0x230, s4;
	[sflag:s10] =	ssyncadd.s32 @!p1 $0xFFFFD800  }
0x6e: {  	[tilespmem:s21], [sflag:$0x8] =	stream.indirect.gather [hbm4b:s2+s8], $0x80, s4, s8, $0xb8;
	[tilespmem:$0x15900] =	vst v63  }
0x6f: {  	_ =	swait.ge [sflag:s22], $0x2800  }
0x70: {  	[sflag:s22] =	ssyncset.done $0x0  }
0x71: {  	s6 =	simm.s32 $0x4100;
	s4 =	sadd.s32 $0xFFFFF100, s5;
	[sflag:s22] =	ssyncadd.s32 $0xFFFFD800  }
0x72: {  	[hbm4b:s4+s3] =	stream.linear.scatter [tilespmem:s6], [sflag:$0xA], $0x2800, $0x38;
	[tilespmem:$0x15900] =	vst v63  }
0x73: {  	s16 =	sadd.s32 $0xFFFFF600, s5;
	p1 =	seq.s32 s7, $0x5A00;
	_ =	swait.ge [sflag:s23], $0x2800  }
0x74: {  	s7 =	sshra.s32 @!p1 s7, $0x2;
	s6 =	simm.s32 @!p1 $0x1900;
	[sflag:s23] =	ssyncset.done $0x0  }
0x75: {  	s10 =	sadd.s32 @!p1 $0x280, s7;
	s4 =	simm.s32 @!p1 $0x50;
	[sflag:s23] =	ssyncadd.s32 $0xFFFFD800  }
0x76: {  	[tilespmem:s6], [sflag:$0x1] =	stream.indirect.gather @!p1 [hbm4b:s2+s4], $0x80, s10, s4, $0xb8;
	[tilespmem:$0x15900] =	vst v63  }
0x77: {  	s12 =	sadd.s32 @!p1 $0x320, s7;
	s14 =	sadd.s32 @!p1 $0x370, s7;
	_ =	swait.ge [sflag:s24], $0x2800  }
0x78: {  	s10 =	sadd.s32 @!p1 $0x3C0, s7;
	s6 =	sadd.s32 @!p1 $0x410, s7;
	[sflag:s24] =	ssyncset.done $0x0  }
0x79: {  	s18 =	sadd.s32 @!p1 $0x2D0, s7;
	s7 =	simm.s32 $0x6900;
	[sflag:s24] =	ssyncadd.s32 $0xFFFFD800  }
0x7a: {  	[hbm4b:s16+s3] =	stream.linear.scatter [tilespmem:s7], [sflag:$0xB], $0x2800, $0x38;
	[tilespmem:$0x15900] =	vst v63  }
0x7b: {  	s7 =	smov.u32 s9;
	_ =	swait.ge [sflag:s25], $0x2800  }
0x7c: {  	[sflag:s25] =	ssyncset.done $0x0  }
0x7d: {  	s9 =	simm.s32 @!p1 $0x4100;
	[sflag:s25] =	ssyncadd.s32 $0xFFFFD800  }
0x7e: {  	[tilespmem:s9], [sflag:$0x2] =	stream.indirect.gather @!p1 [hbm4b:s2+s4], $0x80, s18, s4, $0xb8;
	[tilespmem:$0x15900] =	vst v63  }
0x7f: {  	_ =	swait.ge [sflag:s26], $0x2800  }
0x80: {  	[sflag:s26] =	ssyncset.done $0x0  }
0x81: {  	s16 =	simm.s32 $0x9100;
	s9 =	sadd.s32 $0xFFFFFB00, s5;
	[sflag:s26] =	ssyncadd.s32 $0xFFFFD800  }
0x82: {  	[hbm4b:s9+s3] =	stream.linear.scatter [tilespmem:s16], [sflag:$0xC], $0x2800, $0x38;
	[tilespmem:$0x15900] =	vst v63  }
0x83: {  	_ =	swait.ge [sflag:s28], $0x2800  }
0x84: {  	[sflag:s28] =	ssyncset.done $0x0  }
0x85: {  	s9 =	simm.s32 @!p1 $0x6900;
	[sflag:s28] =	ssyncadd.s32 $0xFFFFD800  }
0x86: {  	[tilespmem:s9], [sflag:$0x3] =	stream.indirect.gather @!p1 [hbm4b:s2+s4], $0x80, s12, s4, $0xb8;
	[tilespmem:$0x15900] =	vst v63  }
0x87: {  	_ =	swait.ge [sflag:s29], $0x2800  }
0x88: {  	[sflag:s29] =	ssyncset.done $0x0  }
0x89: {  	s9 =	simm.s32 $0xB900;
	[sflag:s29] =	ssyncadd.s32 $0xFFFFD800  }
0x8a: {  	[hbm4b:s5+s3] =	stream.linear.scatter [tilespmem:s9], [sflag:$0xD], $0x2800, $0x38;
	[tilespmem:$0x15900] =	vst v63  }
0x8b: {  	_ =	swait.ge [sflag:s30], $0x2800  }
0x8c: {  	[sflag:s30] =	ssyncset.done $0x0  }
0x8d: {  	s9 =	simm.s32 @!p1 $0x9100;
	[sflag:s30] =	ssyncadd.s32 $0xFFFFD800  }
0x8e: {  	[tilespmem:s9], [sflag:$0x4] =	stream.indirect.gather @!p1 [hbm4b:s2+s4], $0x80, s14, s4, $0xb8;
	[tilespmem:$0x15900] =	vst v63  }
0x8f: {  	_ =	swait.ge [sflag:s31], $0x2800  }
0x90: {  	[sflag:s31] =	ssyncset.done $0x0  }
0x91: {  	s12 =	simm.s32 $0xE100;
	s9 =	sadd.s32 $0x500, s5;
	[sflag:s31] =	ssyncadd.s32 $0xFFFFD800  }
0x92: {  	[hbm4b:s9+s3] =	stream.linear.scatter [tilespmem:s12], [sflag:$0xE], $0x2800, $0x38;
	[tilespmem:$0x15900] =	vst v63  }
0x93: {  	_ =	swait.ge [sflag:s1], $0x2800  }
0x94: {  	[sflag:s1] =	ssyncset.done $0x0  }
0x95: {  	s9 =	simm.s32 @!p1 $0xB900;
	[sflag:s1] =	ssyncadd.s32 $0xFFFFD800  }
0x96: {  	[tilespmem:s9], [sflag:$0x5] =	stream.indirect.gather @!p1 [hbm4b:s2+s4], $0x80, s10, s4, $0xb8;
	[tilespmem:$0x15900] =	vst v63  }
0x97: {  	_ =	swait.ge [sflag:s0], $0x2800  }
0x98: {  	[sflag:s0] =	ssyncset.done $0x0  }
0x99: {  	s9 =	sadd.s32 $0xA00, s5;
	[sflag:s0] =	ssyncadd.s32 $0xFFFFD800  }
0x9a: {  	[hbm4b:s9+s3] =	stream.linear.scatter [tilespmem:s19], [sflag:$0xF], $0x2800, $0x38;
	[tilespmem:$0x15900] =	vst v63  }
0x9b: {  	_ =	swait.ge [sflag:s11], $0x2800  }
.Ltmp0:
0x9c: {  	[sflag:s11] =	ssyncset.done $0x0;
	(pc) =	sbr.rel @p0 .LBB2_2-.Ltmp0, $4  }
0x9d: {  	s9 =	simm.s32 @!p1 $0xE100;
	[sflag:s11] =	ssyncadd.s32 $0xFFFFD800  }
0x9e: {  	[tilespmem:s9], [sflag:$0x6] =	stream.indirect.gather @!p1 [hbm4b:s2+s4], $0x80, s6, s4, $0xb8;
	[tilespmem:$0x15900] =	vst v63  }
0x9f: {  	s5 =	sadd.s32 $0x2800, s5;
	_ =	swait.ge [sflag:s13], $0x2800  }
0xa0: {  	p1 =	seq.s32 s7, $0x0;
	s4 =	sadd.s32 $0xF00, s17;
	[sflag:s13] =	ssyncset.done $0x0  }
0xa1: {  	s6 =	simm.s32 @!p1 $0xF;
	[sflag:s13] =	ssyncadd.s32 $0xFFFFD800  }
0xa2: {  	[hbm4b:s4+s3] =	stream.linear.scatter [tilespmem:s21], [sflag:$0x10], $0x2800, $0x38;
	[tilespmem:$0x15900] =	vst v63  }
0xa3: {  	_ =	swait.ge @!p1 [sflag:s6], $0x2800  }
0xa4: {  	s16 =	sshra.s32 s7, $0x2;
	[sflag:s6] =	ssyncset.done @!p1 $0x0  }
0xa5: {  	s17 =	sadd.s32 $0x1E0, s16;
	[sflag:s6] =	ssyncadd.s32 @!p1 $0xFFFFD800  }
0xa6: {  	[tilespmem:s19], [sflag:$0x7] =	stream.indirect.gather [hbm4b:s2+s8], $0x80, s17, s8, $0xb8;
	[tilespmem:$0x15900] =	vst v63  }
0xa7: {  	_ =	swait.ge [sflag:s20], $0x2800  }
0xa8: {  	s18 =	sadd.s32 $0xFFFFEC00, s5;
	[sflag:s20] =	ssyncset.done $0x0  }
0xa9: {  	s9 =	simm.s32 @!p1 $0x10;
	s10 =	simm.s32 $0x1900;
	[sflag:s20] =	ssyncadd.s32 $0xFFFFD800  }
0xaa: {  	[hbm4b:s18+s3] =	stream.linear.scatter [tilespmem:s10], [sflag:$0x9], $0x2800, $0x38;
	[tilespmem:$0x15900] =	vst v63  }
0xab: {  	_ =	swait.ge @!p1 [sflag:s9], $0x2800  }
0xac: {  	[sflag:s9] =	ssyncset.done @!p1 $0x0  }
0xad: {  	s4 =	sadd.s32 $0x230, s16;
	[sflag:s9] =	ssyncadd.s32 @!p1 $0xFFFFD800  }
0xae: {  	[tilespmem:s21], [sflag:$0x8] =	stream.indirect.gather [hbm4b:s2+s8], $0x80, s4, s8, $0xb8;
	[tilespmem:$0x15900] =	vst v63  }
0xaf: {  	_ =	swait.ge [sflag:s22], $0x2800  }
0xb0: {  	[sflag:s22] =	ssyncset.done $0x0  }
0xb1: {  	s12 =	simm.s32 $0x4100;
	s10 =	sadd.s32 $0xFFFFF100, s5;
	[sflag:s22] =	ssyncadd.s32 $0xFFFFD800  }
0xb2: {  	[hbm4b:s10+s3] =	stream.linear.scatter [tilespmem:s12], [sflag:$0xA], $0x2800, $0x38;
	[tilespmem:$0x15900] =	vst v63  }
0xb3: {  	p0 =	seq.s32 s7, $0x5A00;
	_ =	swait.ge [sflag:s23], $0x2800  }
0xb4: {  	s6 =	simm.s32 @!p0 $0x1900;
	s4 =	sshra.s32 @!p0 s7, $0x2;
	[sflag:s23] =	ssyncset.done $0x0  }
0xb5: {  	s9 =	simm.s32 @!p0 $0x50;
	s7 =	sadd.s32 @!p0 $0x280, s4;
	[sflag:s23] =	ssyncadd.s32 $0xFFFFD800  }
0xb6: {  	[tilespmem:s6], [sflag:$0x1] =	stream.indirect.gather @!p0 [hbm4b:s2+s9], $0x80, s7, s9, $0xb8;
	[tilespmem:$0x15900] =	vst v63  }
0xb7: {  	_ =	swait.ge [sflag:s24], $0x2800  }
0xb8: {  	[sflag:s24] =	ssyncset.done $0x0  }
0xb9: {  	s14 =	sadd.s32 $0xFFFFF600, s5;
	s15 =	simm.s32 $0x6900;
	[sflag:s24] =	ssyncadd.s32 $0xFFFFD800  }
0xba: {  	[hbm4b:s14+s3] =	stream.linear.scatter [tilespmem:s15], [sflag:$0xB], $0x2800, $0x38;
	[tilespmem:$0x15900] =	vst v63  }
0xbb: {  	_ =	swait.ge [sflag:s25], $0x2800  }
0xbc: {  	[sflag:s25] =	ssyncset.done $0x0  }
0xbd: {  	s6 =	sadd.s32 @!p0 $0x2D0, s4;
	s7 =	simm.s32 @!p0 $0x4100;
	[sflag:s25] =	ssyncadd.s32 $0xFFFFD800  }
0xbe: {  	[tilespmem:s7], [sflag:$0x2] =	stream.indirect.gather @!p0 [hbm4b:s2+s9], $0x80, s6, s9, $0xb8;
	[tilespmem:$0x15900] =	vst v63  }
0xbf: {  	_ =	swait.ge [sflag:s26], $0x2800  }
0xc0: {  	[sflag:s26] =	ssyncset.done $0x0  }
0xc1: {  	s16 =	sadd.s32 $0xFFFFFB00, s5;
	s17 =	simm.s32 $0x9100;
	[sflag:s26] =	ssyncadd.s32 $0xFFFFD800  }
0xc2: {  	[hbm4b:s16+s3] =	stream.linear.scatter [tilespmem:s17], [sflag:$0xC], $0x2800, $0x38;
	[tilespmem:$0x15900] =	vst v63  }
0xc3: {  	_ =	swait.ge [sflag:s28], $0x2800  }
0xc4: {  	[sflag:s28] =	ssyncset.done $0x0  }
0xc5: {  	s6 =	sadd.s32 @!p0 $0x320, s4;
	s7 =	simm.s32 @!p0 $0x6900;
	[sflag:s28] =	ssyncadd.s32 $0xFFFFD800  }
0xc6: {  	[tilespmem:s7], [sflag:$0x3] =	stream.indirect.gather @!p0 [hbm4b:s2+s9], $0x80, s6, s9, $0xb8;
	[tilespmem:$0x15900] =	vst v63  }
0xc7: {  	_ =	swait.ge [sflag:s29], $0x2800  }
0xc8: {  	[sflag:s29] =	ssyncset.done $0x0  }
0xc9: {  	s18 =	simm.s32 $0xB900;
	[sflag:s29] =	ssyncadd.s32 $0xFFFFD800  }
0xca: {  	[hbm4b:s5+s3] =	stream.linear.scatter [tilespmem:s18], [sflag:$0xD], $0x2800, $0x38;
	[tilespmem:$0x15900] =	vst v63  }
0xcb: {  	_ =	swait.ge [sflag:s30], $0x2800  }
0xcc: {  	[sflag:s30] =	ssyncset.done $0x0  }
0xcd: {  	s6 =	sadd.s32 @!p0 $0x370, s4;
	s7 =	simm.s32 @!p0 $0x9100;
	[sflag:s30] =	ssyncadd.s32 $0xFFFFD800  }
0xce: {  	[tilespmem:s7], [sflag:$0x4] =	stream.indirect.gather @!p0 [hbm4b:s2+s9], $0x80, s6, s9, $0xb8;
	[tilespmem:$0x15900] =	vst v63  }
0xcf: {  	_ =	swait.ge [sflag:s31], $0x2800  }
0xd0: {  	[sflag:s31] =	ssyncset.done $0x0  }
0xd1: {  	s10 =	simm.s32 $0xE100;
	s7 =	sadd.s32 $0x500, s5;
	[sflag:s31] =	ssyncadd.s32 $0xFFFFD800  }
0xd2: {  	[hbm4b:s7+s3] =	stream.linear.scatter [tilespmem:s10], [sflag:$0xE], $0x2800, $0x38;
	[tilespmem:$0x15900] =	vst v63  }
0xd3: {  	_ =	swait.ge [sflag:s1], $0x2800  }
0xd4: {  	[sflag:s1] =	ssyncset.done $0x0  }
0xd5: {  	s6 =	sadd.s32 @!p0 $0x3C0, s4;
	s7 =	simm.s32 @!p0 $0xB900;
	[sflag:s1] =	ssyncadd.s32 $0xFFFFD800  }
0xd6: {  	[tilespmem:s7], [sflag:$0x5] =	stream.indirect.gather @!p0 [hbm4b:s2+s9], $0x80, s6, s9, $0xb8;
	[tilespmem:$0x15900] =	vst v63  }
0xd7: {  	_ =	swait.ge [sflag:s0], $0x2800  }
0xd8: {  	[sflag:s0] =	ssyncset.done $0x0  }
0xd9: {  	s12 =	sadd.s32 $0xA00, s5;
	[sflag:s0] =	ssyncadd.s32 $0xFFFFD800  }
0xda: {  	[hbm4b:s12+s3] =	stream.linear.scatter [tilespmem:s19], [sflag:$0xF], $0x2800, $0x38;
	[tilespmem:$0x15900] =	vst v63  }
0xdb: {  	_ =	swait.ge [sflag:s11], $0x2800  }
0xdc: {  	[sflag:s11] =	ssyncset.done $0x0  }
0xdd: {  	s4 =	sadd.s32 @!p0 $0x410, s4;
	s6 =	simm.s32 @!p0 $0xE100;
	[sflag:s11] =	ssyncadd.s32 $0xFFFFD800  }
0xde: {  	[tilespmem:s6], [sflag:$0x6] =	stream.indirect.gather @!p0 [hbm4b:s2+s9], $0x80, s4, s9, $0xb8;
	[tilespmem:$0x15900] =	vst v63  }
0xdf: {  	_ =	swait.ge [sflag:s13], $0x2800  }
0xe0: {  	[sflag:s13] =	ssyncset.done $0x0  }
0xe1: {  	s14 =	sadd.s32 $0xF00, s5;
	s15 =	simm.s32 $0xF;
	[sflag:s13] =	ssyncadd.s32 $0xFFFFD800  }
0xe2: {  	[hbm4b:s14+s3] =	stream.linear.scatter [tilespmem:s21], [sflag:$0x10], $0x2800, $0x38;
	[tilespmem:$0x15900] =	vst v63  }
0xe3: {  	_ =	swait.ge [sflag:s15], $0x2800  }
0xe4: {  	[sflag:s15] =	ssyncset.done $0x0  }
0xe5: {  	s16 =	simm.s32 $0x10;
	[sflag:s15] =	ssyncadd.s32 $0xFFFFD800  }
0xe6: {  	_ =	swait.ge [sflag:s16], $0x2800  }
0xe7: {  	s17 =	rddreg [dreg:$0x7]  }
0xe8: {  	s18 =	rddreg [dreg:$0x5];
	s6 =	sadd.s32 $0x1, s17  }
0xe9: {  	p0 =	sne.s32 s6, s18  }
.Ltmp1:
0xea: {  	_ = 	snop;
	(pc) =	sbr.rel @p0 .LBB2_1-.Ltmp1, $3  }
0xeb: {  	_ =	sdelay $0x1  }
0xec: {  	[sflag:s16] =	ssyncset.done $0x0  }
0xed: {  	[sflag:s16] =	ssyncadd.s32 $0xFFFFD800  }
0xee: {  	_ =	sfence.sel $0x180000  }
0xef: {  	[bflag:$0x0] =	sbarrier.arrive $0xFFFF  }
0xf0: {  	_ =	strace $0x90000047  }
0xf1: {  	s0 =	stileid.u32;
	[bflag:$0x2] =	sbarrier.arrive $0xFFFF  }
0xf2: {  	p0 =	sne.s32 s0, $0x0;
	s0 =	rddreg [dreg:$0x3]  }
0xf3: {  	s0 =	sadd.s32 @!p0 $0x100000, s0  }
0xf4: {  	[sflag:s0] =	ssyncadd.tile.s32 @!p0 $0x1;
	_ =	shalt  }
.Lfunc_end2:
_tile_overlayer_lowered:
.L_overlay_start_2:
0xf5: {  	(tag) =	ssettag $0x2  }
0xf6: {  	s0 =	rddreg [dreg:$0x0];
	s2 =	stileid.u32  }
0xf7: {  	s1 =	rddreg [dreg:$0x1];
	p0 =	sne.s32 s2, $0x0  }
0xf8: {  	s3 =	rddreg [dreg:$0x2];
	[bflag:$0x3] =	sbarrier.arrive $0xFFFF;
	s2 =	simm.s32 @!p0 $0x1C11  }
0xf9: {  	[timem:s3], [sflag:s2] =	dma.local @!p0 [hbm:s0], s1  }
0xfa: {  	s0 =	simm.s32 @!p0 $0x11  }
0xfb: {  	_ =	swait.ge @!p0 [sflag:s0], s1  }
0xfc: {  	s1 =	ssub.s32 @!p0 $0x0, s1;
	[sflag:s0] =	ssyncset.done @!p0 $0x0  }
0xfd: {  	[sflag:s0] =	ssyncadd.s32 @!p0 s1  }
0xfe: {  	[bflag:$0x3] =	sbarrier.arrive $0xFFFF  }
0xff: {  	_ =	shalt  }

</sc_bundles>
